<compile_context>
chip_gen: v7x
topology: tpu7x:2x2x1
jax: 0.10.2.dev20260603
libtpu: 0.0.44.dev20260713+nightly
codegen_flags: <defaults>
</compile_context>

<pallas_src>
import jax
import jax.numpy as jnp
from jax import lax
from jax.experimental import pallas as pl
from jax.experimental.pallas import tpu as pltpu
from jax.experimental.pallas import tpu_sc as plsc

_N = 1024
_D = 128
_NPAIR = 128
_L = 16
_NJB = _N // _L
_BUF = 1280
_NW = 16
_PW = _NPAIR // _NW
_MAGIC = 1597463007


def _rsqrt(x):
    y = plsc.bitcast(_MAGIC - (plsc.bitcast(x, jnp.int32) >> 1), jnp.float32)
    for _ in range(4):
        y = y * (1.5 - 0.5 * x * y * y)
    return y


def _sc_loss(emb_hbm, label_hbm, out_hbm,
             label_v, pi_v, ni_v,
             idx_sh, part_sh, idx_pk_v, idx_v,
             pa_v, pb_v, na_v, nb_v,
             part_v, parts_v, outv_v, cnt_s, sem):
    cid = lax.axis_index("c")
    sid = lax.axis_index("s")
    w0 = (cid == 0) & (sid == 0)
    iota = lax.broadcasted_iota(jnp.int32, (_L,), 0)

    @pl.when(w0)
    def _select():
        pltpu.sync_copy(label_hbm, label_v)

        for b in range(_NPAIR // _L + 1):
            sl = pl.ds(b * _L, _L)
            pi_v[sl] = jnp.full((_L,), (_N - 1) * _N, jnp.int32)
            ni_v[sl] = jnp.full((_L,), (_N - 1) * _N, jnp.int32)

        cnt_s[0] = jnp.int32(0)
        cnt_s[1] = jnp.int32(0)

        def row_work(i):
            pp = cnt_s[0]
            pn = cnt_s[1]

            @pl.when((pp < _NPAIR) | (pn < _NPAIR))
            def _row():
                ivec = jnp.full((_L,), i, jnp.int32)
                lab_i = plsc.load_gather(label_v, [ivec])
                do_p = pp < _NPAIR
                do_n = pn < _NPAIR

                ipacked = jnp.full((_L,), i * _N, jnp.int32)

                @plsc.parallel_loop((i + 1) // _L, _NJB, unroll=4,
                                    carry=(pp, pn))
                def jb_body(b, c2):
                    pp2, pn2 = c2
                    base = b * _L
                    labs = label_v[pl.ds(base, _L)]
                    jvec = base + iota
                    valid = jvec > i
                    eq = labs == lab_i
                    pmr = valid & eq
                    nm = valid & jnp.logical_not(eq) & do_n
                    packed = ipacked + jvec
                    cntv = jnp.minimum(_L, base + (_L - 1) - i)
                    cntp = plsc.all_reduce_population_count(pmr)[0]
                    rp = plsc.cumsum(pmr.astype(jnp.int32))
                    plsc.store_scatter(pi_v, [pp2 + rp - 1], packed,
                                       mask=pmr & do_p)
                    rn = jnp.minimum(jvec - ivec, iota + 1) - rp
                    plsc.store_scatter(ni_v, [pn2 + rn - 1], packed, mask=nm)
                    pp2 = pp2 + jnp.where(do_p, cntp, 0)
                    pn2 = pn2 + jnp.where(do_n, cntv - cntp, 0)
                    return (pp2, pn2)

                pp2, pn2 = jb_body
                cnt_s[0] = pp2
                cnt_s[1] = pn2

        def grp_body(g, carry):
            pp = cnt_s[0]
            pn = cnt_s[1]

            @pl.when((pp < _NPAIR) | (pn < _NPAIR))
            def _grp():
                def row_body(t, c):
                    i = g * _L + t

                    @pl.when(i < _N - 1)
                    def _():
                        row_work(i)

                    return c

                lax.fori_loop(0, _L, row_body, jnp.int32(0))

            return carry

        lax.fori_loop(0, _NJB, grp_body, jnp.int32(0))

        pltpu.sync_copy(pi_v.at[pl.ds(0, _NPAIR)], idx_sh.at[pl.ds(0, _NPAIR)])
        pltpu.sync_copy(ni_v.at[pl.ds(0, _NPAIR)],
                        idx_sh.at[pl.ds(_NPAIR, _NPAIR)])

    plsc.subcore_barrier()

    @pl.when(cid == 0)
    def _compute():
        pltpu.sync_copy(idx_sh, idx_pk_v)
        for b in range(_NPAIR // _L):
            pk = idx_pk_v[pl.ds(b * _L, _L)]
            idx_v[pl.ds(b * _L, _L)] = pk >> 10
            idx_v[pl.ds(_NPAIR + b * _L, _L)] = pk & (_N - 1)
            nk = idx_pk_v[pl.ds(_NPAIR + b * _L, _L)]
            idx_v[pl.ds(2 * _NPAIR + b * _L, _L)] = nk >> 10
            idx_v[pl.ds(3 * _NPAIR + b * _L, _L)] = nk & (_N - 1)
        base = sid * _PW
        cpa = pltpu.async_copy(emb_hbm.at[idx_v.at[pl.ds(base, _PW)]],
                               pa_v, sem)
        cpb = pltpu.async_copy(emb_hbm.at[idx_v.at[pl.ds(_NPAIR + base, _PW)]],
                               pb_v, sem)
        cna = pltpu.async_copy(
            emb_hbm.at[idx_v.at[pl.ds(2 * _NPAIR + base, _PW)]], na_v, sem)
        cnb = pltpu.async_copy(
            emb_hbm.at[idx_v.at[pl.ds(3 * _NPAIR + base, _PW)]], nb_v, sem)
        cpa.wait()
        cpb.wait()
        cna.wait()
        cnb.wait()

        @plsc.parallel_loop(0, _PW, unroll=4,
                            carry=jnp.zeros((_L,), jnp.float32))
        def acc(p, a):
            for v in range(_D // _L):
                t = pa_v[p, pl.ds(v * _L, _L)] - pb_v[p, pl.ds(v * _L, _L)] + 1e-6
                a = a + t * t
            return a

        @plsc.parallel_loop(0, _PW, unroll=4,
                            carry=jnp.zeros((_L,), jnp.float32))
        def d2g(p, g):
            a = jnp.zeros((_L,), jnp.float32)
            for v in range(_D // _L):
                t = na_v[p, pl.ds(v * _L, _L)] - nb_v[p, pl.ds(v * _L, _L)] + 1e-6
                a = a + t * t
            return jnp.where(iota == p, jnp.sum(a), g)
        d = d2g * _rsqrt(jnp.maximum(d2g, 1e-30))
        t = jnp.maximum(2.0 - d, 0.0)
        acc = acc + jnp.where(iota < _PW, t * t, 0.0)

        part_v[...] = acc
        pltpu.sync_copy(part_v, part_sh.at[sid])

    plsc.subcore_barrier()

    @pl.when(w0)
    def _reduce():
        pltpu.sync_copy(part_sh, parts_v)
        total_v = jnp.zeros((_L,), jnp.float32)
        for w in range(_NW):
            total_v = total_v + parts_v[w, pl.ds(0, _L)]
        total = jnp.sum(total_v)
        outv_v[...] = jnp.where(iota == 0, total, total * (1.0 / (2 * _NPAIR)))
        pltpu.sync_copy(outv_v, out_hbm)


@jax.jit
def kernel(embedding, label):
    out = pl.kernel(
        _sc_loss,
        out_type=jax.ShapeDtypeStruct((_L,), jnp.float32),
        mesh=plsc.VectorSubcoreMesh(core_axis_name="c", subcore_axis_name="s"),
        compiler_params=pltpu.CompilerParams(needs_layout_passes=False),
        scratch_types=[
            pltpu.VMEM((_N,), jnp.int32),
            pltpu.VMEM((_BUF,), jnp.int32),
            pltpu.VMEM((_BUF,), jnp.int32),
            pltpu.VMEM_SHARED((2 * _NPAIR,), jnp.int32),
            pltpu.VMEM_SHARED((_NW, _L), jnp.float32),
            pltpu.VMEM((2 * _NPAIR,), jnp.int32),
            pltpu.VMEM((4 * _NPAIR,), jnp.int32),
            pltpu.VMEM((_PW, _D), jnp.float32),
            pltpu.VMEM((_PW, _D), jnp.float32),
            pltpu.VMEM((_PW, _D), jnp.float32),
            pltpu.VMEM((_PW, _D), jnp.float32),
            pltpu.VMEM((_L,), jnp.float32),
            pltpu.VMEM((_NW, _L), jnp.float32),
            pltpu.VMEM((_L,), jnp.float32),
            pltpu.SMEM((2,), jnp.int32),
            pltpu.SemaphoreType.DMA,
        ],
    )(embedding, label)
    return (out[1], out[0], (2 * _NPAIR,))

# --- scband reference (transcript-rebuilt; emitter-appended) ---
"""Pipeline reference for scband-selective-contrastive-loss-4612794876604 (READ-ONLY COPY).

The authoritative reference and input builder live on the scoring server;
editing this copy changes nothing except your own understanding.
"""

import jax, jax.numpy as jnp
import numpy as np

SIMILAR_MARGIN = 0.0
DISSIMILAR_MARGIN = 2.0
NUM_POS_PAIR = 128
NUM_NEG_PAIR = 128


def setup_inputs(seed: int = 0) -> dict:
    key = jax.random.key(seed)
    k1, k2 = jax.random.split(key)
    embedding = jax.random.normal(k1, (1024, 128), dtype=jnp.float32)
    label = jax.random.randint(k2, (1024,), 0, 100, dtype=jnp.int32)
    return {"embedding": embedding, "label": label}


def _pairwise_distance(a, b):
    # matches torch F.pairwise_distance default (p=2, eps=1e-6 added to diff)
    diff = a - b + 1e-6
    return jnp.sqrt(jnp.sum(diff * diff, axis=-1))


def reference(embedding, label):
    n = label.shape[0]
    idx = jnp.arange(n)
    upper = idx[:, None] < idx[None, :]
    eq = label[:, None] == label[None, :]
    pos_mask = (upper & eq).reshape(-1)
    neg_mask = (upper & ~eq).reshape(-1)
    flat = jnp.arange(n * n)
    sentinel = n * n

    pos_flat = jnp.sort(jnp.where(pos_mask, flat, sentinel))[:NUM_POS_PAIR]
    pos_i = pos_flat // n
    pos_j = pos_flat % n
    ea = embedding[pos_i]
    eb = embedding[pos_j]
    d_pos = _pairwise_distance(ea, eb)
    sim_loss = jnp.maximum(d_pos - SIMILAR_MARGIN, 0.0) ** 2

    neg_flat = jnp.sort(jnp.where(neg_mask, flat, sentinel))[:NUM_NEG_PAIR]
    neg_i = neg_flat // n
    neg_j = neg_flat % n
    na = embedding[neg_i]
    nb = embedding[neg_j]
    d_neg = _pairwise_distance(na, nb)
    dis_loss = jnp.maximum(DISSIMILAR_MARGIN - d_neg, 0.0) ** 2

    loss = jnp.concatenate([sim_loss, dis_loss])

    return (loss.mean(), loss.sum(), loss.shape)


if False:  # reference __main__ guard neutralized (emitter)
    out = reference(**setup_inputs())
    print(out)

if __name__ == "__main__":
    import jax
    _d = setup_inputs()
    print(jax.jit(kernel)(*tuple(_d.values())))

</pallas_src>

<mosaic_0001>
#map = affine_map<(d0, d1) -> (0, 0)>
#map1 = affine_map<(d0, d1) -> (0)>
module attributes {stable_mosaic.version = 14 : i64} {
  func.func @_sc_loss(%arg0: i32, %arg1: i32, %arg2: memref<1024x128xf32, #tpu.memory_space<hbm>>, %arg3: memref<1024xi32, #tpu.memory_space<hbm>>, %arg4: memref<16xf32, #tpu.memory_space<hbm>>, %arg5: memref<1024xi32, #tpu.memory_space<vmem>>, %arg6: memref<1280xi32, #tpu.memory_space<vmem>>, %arg7: memref<1280xi32, #tpu.memory_space<vmem>>, %arg8: memref<256xi32, #tpu.memory_space<vmem_shared>>, %arg9: memref<16x16xf32, #tpu.memory_space<vmem_shared>>, %arg10: memref<256xi32, #tpu.memory_space<vmem>>, %arg11: memref<512xi32, #tpu.memory_space<vmem>>, %arg12: memref<8x128xf32, #tpu.memory_space<vmem>>, %arg13: memref<8x128xf32, #tpu.memory_space<vmem>>, %arg14: memref<8x128xf32, #tpu.memory_space<vmem>>, %arg15: memref<8x128xf32, #tpu.memory_space<vmem>>, %arg16: memref<16xf32, #tpu.memory_space<vmem>>, %arg17: memref<16x16xf32, #tpu.memory_space<vmem>>, %arg18: memref<16xf32, #tpu.memory_space<vmem>>, %arg19: memref<2xi32, #tpu.memory_space<smem>>, %arg20: memref<!tpu.dma_semaphore, #tpu.memory_space<semaphore_mem>>) attributes {dimension_semantics = [#tpu.dimension_semantics<core_parallel>, #tpu.dimension_semantics<subcore_parallel>], iteration_bounds = array<i64: 2, 16>, scalar_prefetch = 0 : i64, scratch_operands = 16 : i64, tpu.core_type = #tpu.core_type<sc_vector_subcore>, window_params = [{transform_indices = #map}, {transform_indices = #map1}, {transform_indices = #map1}]} {
    %eq3A = arith.constant 0 : i32
    %eq3A_0 = arith.cmpi eq, %arg0, %eq3A : i32
    %eq3A_1 = arith.constant 0 : i32
    %eq3A_2 = arith.cmpi eq, %arg1, %eq3A_1 : i32
    %and3A = arith.andi %eq3A_0, %eq3A_2 : i1
    %iota3A = tpu.iota {dimensions = array<i32: 0>} : vector<16xi32>
    %convert_element_type3A = arith.extui %and3A : i1 to i32
    %cond3A = arith.constant 0 : i32
    %cond3A_3 = arith.cmpi ne, %convert_element_type3A, %cond3A : i32
    scf.if %cond3A_3 {
      "tpu.region"() ({
        %run_scoped3A = tpu.sem_alloc : memref<!tpu.dma_semaphore, #tpu.memory_space<semaphore_mem>>
        tpu.enqueue_dma source(%arg3 : memref<1024xi32, #tpu.memory_space<hbm>>) target(%arg5 : memref<1024xi32, #tpu.memory_space<vmem>>) target_semaphore(%run_scoped3A : memref<!tpu.dma_semaphore, #tpu.memory_space<semaphore_mem>>)
        tpu.wait_dma2 semaphore(%run_scoped3A : memref<!tpu.dma_semaphore, #tpu.memory_space<semaphore_mem>>) src(%arg3 : memref<1024xi32, #tpu.memory_space<hbm>>) dst(%arg5 : memref<1024xi32, #tpu.memory_space<vmem>>)
        tpu.yield
      }) : () -> ()
      %broadcast_in_dim3A = arith.constant 1047552 : i32
      %broadcast_in_dim3A_13 = vector.broadcast %broadcast_in_dim3A : i32 to vector<16xi32>
      %swap3A = arith.constant 0 : index
      %swap3A_14 = tpu.vector_load %arg6[%swap3A] {strides = array<i32>} : memref<1280xi32, #tpu.memory_space<vmem>>, vector<16xi32>,
      tpu.vector_store %arg6[%swap3A], %broadcast_in_dim3A_13 {strides = array<i32>} : memref<1280xi32, #tpu.memory_space<vmem>>, vector<16xi32>,
      %broadcast_in_dim3A_15 = arith.constant 1047552 : i32
      %broadcast_in_dim3A_16 = vector.broadcast %broadcast_in_dim3A_15 : i32 to vector<16xi32>
      %swap3A_17 = arith.constant 0 : index
      %swap3A_18 = tpu.vector_load %arg7[%swap3A_17] {strides = array<i32>} : memref<1280xi32, #tpu.memory_space<vmem>>, vector<16xi32>,
      tpu.vector_store %arg7[%swap3A_17], %broadcast_in_dim3A_16 {strides = array<i32>} : memref<1280xi32, #tpu.memory_space<vmem>>, vector<16xi32>,
      %broadcast_in_dim3A_19 = arith.constant 1047552 : i32
      %broadcast_in_dim3A_20 = vector.broadcast %broadcast_in_dim3A_19 : i32 to vector<16xi32>
      %swap3A_21 = arith.constant 16 : index
      %swap3A_22 = tpu.vector_load %arg6[%swap3A_21] {strides = array<i32>} : memref<1280xi32, #tpu.memory_space<vmem>>, vector<16xi32>,
      tpu.vector_store %arg6[%swap3A_21], %broadcast_in_dim3A_20 {strides = array<i32>} : memref<1280xi32, #tpu.memory_space<vmem>>, vector<16xi32>,
      %broadcast_in_dim3A_23 = arith.constant 1047552 : i32
      %broadcast_in_dim3A_24 = vector.broadcast %broadcast_in_dim3A_23 : i32 to vector<16xi32>
      %swap3A_25 = arith.constant 16 : index
      %swap3A_26 = tpu.vector_load %arg7[%swap3A_25] {strides = array<i32>} : memref<1280xi32, #tpu.memory_space<vmem>>, vector<16xi32>,
      tpu.vector_store %arg7[%swap3A_25], %broadcast_in_dim3A_24 {strides = array<i32>} : memref<1280xi32, #tpu.memory_space<vmem>>, vector<16xi32>,
      %broadcast_in_dim3A_27 = arith.constant 1047552 : i32
      %broadcast_in_dim3A_28 = vector.broadcast %broadcast_in_dim3A_27 : i32 to vector<16xi32>
      %swap3A_29 = arith.constant 32 : index
      %swap3A_30 = tpu.vector_load %arg6[%swap3A_29] {strides = array<i32>} : memref<1280xi32, #tpu.memory_space<vmem>>, vector<16xi32>,
      tpu.vector_store %arg6[%swap3A_29], %broadcast_in_dim3A_28 {strides = array<i32>} : memref<1280xi32, #tpu.memory_space<vmem>>, vector<16xi32>,
      %broadcast_in_dim3A_31 = arith.constant 1047552 : i32
      %broadcast_in_dim3A_32 = vector.broadcast %broadcast_in_dim3A_31 : i32 to vector<16xi32>
      %swap3A_33 = arith.constant 32 : index
      %swap3A_34 = tpu.vector_load %arg7[%swap3A_33] {strides = array<i32>} : memref<1280xi32, #tpu.memory_space<vmem>>, vector<16xi32>,
      tpu.vector_store %arg7[%swap3A_33], %broadcast_in_dim3A_32 {strides = array<i32>} : memref<1280xi32, #tpu.memory_space<vmem>>, vector<16xi32>,
      %broadcast_in_dim3A_35 = arith.constant 1047552 : i32
      %broadcast_in_dim3A_36 = vector.broadcast %broadcast_in_dim3A_35 : i32 to vector<16xi32>
      %swap3A_37 = arith.constant 48 : index
      %swap3A_38 = tpu.vector_load %arg6[%swap3A_37] {strides = array<i32>} : memref<1280xi32, #tpu.memory_space<vmem>>, vector<16xi32>,
      tpu.vector_store %arg6[%swap3A_37], %broadcast_in_dim3A_36 {strides = array<i32>} : memref<1280xi32, #tpu.memory_space<vmem>>, vector<16xi32>,
      %broadcast_in_dim3A_39 = arith.constant 1047552 : i32
      %broadcast_in_dim3A_40 = vector.broadcast %broadcast_in_dim3A_39 : i32 to vector<16xi32>
      %swap3A_41 = arith.constant 48 : index
      %swap3A_42 = tpu.vector_load %arg7[%swap3A_41] {strides = array<i32>} : memref<1280xi32, #tpu.memory_space<vmem>>, vector<16xi32>,
      tpu.vector_store %arg7[%swap3A_41], %broadcast_in_dim3A_40 {strides = array<i32>} : memref<1280xi32, #tpu.memory_space<vmem>>, vector<16xi32>,
      %broadcast_in_dim3A_43 = arith.constant 1047552 : i32
      %broadcast_in_dim3A_44 = vector.broadcast %broadcast_in_dim3A_43 : i32 to vector<16xi32>
      %swap3A_45 = arith.constant 64 : index
      %swap3A_46 = tpu.vector_load %arg6[%swap3A_45] {strides = array<i32>} : memref<1280xi32, #tpu.memory_space<vmem>>, vector<16xi32>,
      tpu.vector_store %arg6[%swap3A_45], %broadcast_in_dim3A_44 {strides = array<i32>} : memref<1280xi32, #tpu.memory_space<vmem>>, vector<16xi32>,
      %broadcast_in_dim3A_47 = arith.constant 1047552 : i32
      %broadcast_in_dim3A_48 = vector.broadcast %broadcast_in_dim3A_47 : i32 to vector<16xi32>
      %swap3A_49 = arith.constant 64 : index
      %swap3A_50 = tpu.vector_load %arg7[%swap3A_49] {strides = array<i32>} : memref<1280xi32, #tpu.memory_space<vmem>>, vector<16xi32>,
      tpu.vector_store %arg7[%swap3A_49], %broadcast_in_dim3A_48 {strides = array<i32>} : memref<1280xi32, #tpu.memory_space<vmem>>, vector<16xi32>,
      %broadcast_in_dim3A_51 = arith.constant 1047552 : i32
      %broadcast_in_dim3A_52 = vector.broadcast %broadcast_in_dim3A_51 : i32 to vector<16xi32>
      %swap3A_53 = arith.constant 80 : index
      %swap3A_54 = tpu.vector_load %arg6[%swap3A_53] {strides = array<i32>} : memref<1280xi32, #tpu.memory_space<vmem>>, vector<16xi32>,
      tpu.vector_store %arg6[%swap3A_53], %broadcast_in_dim3A_52 {strides = array<i32>} : memref<1280xi32, #tpu.memory_space<vmem>>, vector<16xi32>,
      %broadcast_in_dim3A_55 = arith.constant 1047552 : i32
      %broadcast_in_dim3A_56 = vector.broadcast %broadcast_in_dim3A_55 : i32 to vector<16xi32>
      %swap3A_57 = arith.constant 80 : index
      %swap3A_58 = tpu.vector_load %arg7[%swap3A_57] {strides = array<i32>} : memref<1280xi32, #tpu.memory_space<vmem>>, vector<16xi32>,
      tpu.vector_store %arg7[%swap3A_57], %broadcast_in_dim3A_56 {strides = array<i32>} : memref<1280xi32, #tpu.memory_space<vmem>>, vector<16xi32>,
      %broadcast_in_dim3A_59 = arith.constant 1047552 : i32
      %broadcast_in_dim3A_60 = vector.broadcast %broadcast_in_dim3A_59 : i32 to vector<16xi32>
      %swap3A_61 = arith.constant 96 : index
      %swap3A_62 = tpu.vector_load %arg6[%swap3A_61] {strides = array<i32>} : memref<1280xi32, #tpu.memory_space<vmem>>, vector<16xi32>,
      tpu.vector_store %arg6[%swap3A_61], %broadcast_in_dim3A_60 {strides = array<i32>} : memref<1280xi32, #tpu.memory_space<vmem>>, vector<16xi32>,
      %broadcast_in_dim3A_63 = arith.constant 1047552 : i32
      %broadcast_in_dim3A_64 = vector.broadcast %broadcast_in_dim3A_63 : i32 to vector<16xi32>
      %swap3A_65 = arith.constant 96 : index
      %swap3A_66 = tpu.vector_load %arg7[%swap3A_65] {strides = array<i32>} : memref<1280xi32, #tpu.memory_space<vmem>>, vector<16xi32>,
      tpu.vector_store %arg7[%swap3A_65], %broadcast_in_dim3A_64 {strides = array<i32>} : memref<1280xi32, #tpu.memory_space<vmem>>, vector<16xi32>,
      %broadcast_in_dim3A_67 = arith.constant 1047552 : i32
      %broadcast_in_dim3A_68 = vector.broadcast %broadcast_in_dim3A_67 : i32 to vector<16xi32>
      %swap3A_69 = arith.constant 112 : index
      %swap3A_70 = tpu.vector_load %arg6[%swap3A_69] {strides = array<i32>} : memref<1280xi32, #tpu.memory_space<vmem>>, vector<16xi32>,
      tpu.vector_store %arg6[%swap3A_69], %broadcast_in_dim3A_68 {strides = array<i32>} : memref<1280xi32, #tpu.memory_space<vmem>>, vector<16xi32>,
      %broadcast_in_dim3A_71 = arith.constant 1047552 : i32
      %broadcast_in_dim3A_72 = vector.broadcast %broadcast_in_dim3A_71 : i32 to vector<16xi32>
      %swap3A_73 = arith.constant 112 : index
      %swap3A_74 = tpu.vector_load %arg7[%swap3A_73] {strides = array<i32>} : memref<1280xi32, #tpu.memory_space<vmem>>, vector<16xi32>,
      tpu.vector_store %arg7[%swap3A_73], %broadcast_in_dim3A_72 {strides = array<i32>} : memref<1280xi32, #tpu.memory_space<vmem>>, vector<16xi32>,
      %broadcast_in_dim3A_75 = arith.constant 1047552 : i32
      %broadcast_in_dim3A_76 = vector.broadcast %broadcast_in_dim3A_75 : i32 to vector<16xi32>
      %swap3A_77 = arith.constant 128 : index
      %swap3A_78 = tpu.vector_load %arg6[%swap3A_77] {strides = array<i32>} : memref<1280xi32, #tpu.memory_space<vmem>>, vector<16xi32>,
      tpu.vector_store %arg6[%swap3A_77], %broadcast_in_dim3A_76 {strides = array<i32>} : memref<1280xi32, #tpu.memory_space<vmem>>, vector<16xi32>,
      %broadcast_in_dim3A_79 = arith.constant 1047552 : i32
      %broadcast_in_dim3A_80 = vector.broadcast %broadcast_in_dim3A_79 : i32 to vector<16xi32>
      %swap3A_81 = arith.constant 128 : index
      %swap3A_82 = tpu.vector_load %arg7[%swap3A_81] {strides = array<i32>} : memref<1280xi32, #tpu.memory_space<vmem>>, vector<16xi32>,
      tpu.vector_store %arg7[%swap3A_81], %broadcast_in_dim3A_80 {strides = array<i32>} : memref<1280xi32, #tpu.memory_space<vmem>>, vector<16xi32>,
      %swap3A_83 = arith.constant 0 : i32
      %swap3A_84 = arith.constant 0 : i32
      %swap3A_85 = arith.index_cast %swap3A_84 : i32 to index
      %swap3A_86 = memref.load %arg19[%swap3A_85] : memref<2xi32, #tpu.memory_space<smem>>
      memref.store %swap3A_83, %arg19[%swap3A_85] : memref<2xi32, #tpu.memory_space<smem>>
      %swap3A_87 = arith.constant 0 : i32
      %swap3A_88 = arith.constant 1 : i32
      %swap3A_89 = arith.index_cast %swap3A_88 : i32 to index
      %swap3A_90 = memref.load %arg19[%swap3A_89] : memref<2xi32, #tpu.memory_space<smem>>
      memref.store %swap3A_87, %arg19[%swap3A_89] : memref<2xi32, #tpu.memory_space<smem>>
      %scan3A = arith.constant 0 : i32
      %scan3A_91 = arith.constant 0 : i32
      %scan3A_92 = arith.constant 64 : i32
      %scan3A_93 = arith.addi %scan3A_91, %scan3A_92 : i32
      %scan3A_94 = arith.constant 1 : i32
      scf.for %scan3A_96 = %scan3A_91 to %scan3A_93 step %scan3A_94  : i32 {
        %get3A = arith.constant 0 : i32
        %get3A_97 = arith.index_cast %get3A : i32 to index
        %get3A_98 = memref.load %arg19[%get3A_97] : memref<2xi32, #tpu.memory_space<smem>>
        %get3A_99 = arith.constant 1 : i32
        %get3A_100 = arith.index_cast %get3A_99 : i32 to index
        %get3A_101 = memref.load %arg19[%get3A_100] : memref<2xi32, #tpu.memory_space<smem>>
        %lt3A = arith.constant 128 : i32
        %lt3A_102 = arith.cmpi slt, %get3A_98, %lt3A : i32
        %lt3A_103 = arith.constant 128 : i32
        %lt3A_104 = arith.cmpi slt, %get3A_101, %lt3A_103 : i32
        %or3A = arith.ori %lt3A_102, %lt3A_104 : i1
        %convert_element_type3A_105 = arith.extui %or3A : i1 to i32
        %cond3A_106 = arith.constant 0 : i32
        %cond3A_107 = arith.cmpi ne, %convert_element_type3A_105, %cond3A_106 : i32
        scf.if %cond3A_107 {
          %scan3A_108 = arith.constant 0 : i32
          %scan3A_109 = arith.constant 0 : i32
          %scan3A_110 = arith.constant 16 : i32
          %scan3A_111 = arith.addi %scan3A_109, %scan3A_110 : i32
          %scan3A_112 = arith.constant 1 : i32
          scf.for %scan3A_114 = %scan3A_109 to %scan3A_111 step %scan3A_112  : i32 {
            %mul3A = arith.constant 16 : i32
            %mul3A_115 = arith.muli %scan3A_96, %mul3A : i32
            %add3A = arith.addi %mul3A_115, %scan3A_114 : i32
            %lt3A_116 = arith.constant 1023 : i32
            %lt3A_117 = arith.cmpi slt, %add3A, %lt3A_116 : i32
            %convert_element_type3A_118 = arith.extui %lt3A_117 : i1 to i32
            %cond3A_119 = arith.constant 0 : i32
            %cond3A_120 = arith.cmpi ne, %convert_element_type3A_118, %cond3A_119 : i32
            scf.if %cond3A_120 {
              %get3A_121 = arith.constant 0 : i32
              %get3A_122 = arith.index_cast %get3A_121 : i32 to index
              %get3A_123 = memref.load %arg19[%get3A_122] : memref<2xi32, #tpu.memory_space<smem>>
              %get3A_124 = arith.constant 1 : i32
              %get3A_125 = arith.index_cast %get3A_124 : i32 to index
              %get3A_126 = memref.load %arg19[%get3A_125] : memref<2xi32, #tpu.memory_space<smem>>
              %lt3A_127 = arith.constant 128 : i32
              %lt3A_128 = arith.cmpi slt, %get3A_123, %lt3A_127 : i32
              %lt3A_129 = arith.constant 128 : i32
              %lt3A_130 = arith.cmpi slt, %get3A_126, %lt3A_129 : i32
              %or3A_131 = arith.ori %lt3A_128, %lt3A_130 : i1
              %convert_element_type3A_132 = arith.extui %or3A_131 : i1 to i32
              %cond3A_133 = arith.constant 0 : i32
              %cond3A_134 = arith.cmpi ne, %convert_element_type3A_132, %cond3A_133 : i32
              scf.if %cond3A_134 {
                %broadcast_in_dim3A_135 = vector.broadcast %add3A : i32 to vector<16xi32>
                %gather3A = tpu.vector_load_idx %arg5[%broadcast_in_dim3A_135] : memref<1024xi32, #tpu.memory_space<vmem>>[vector<16xi32>], vector<16xi32>,
                %lt3A_136 = arith.constant 128 : i32
                %lt3A_137 = arith.cmpi slt, %get3A_123, %lt3A_136 : i32
                %lt3A_138 = arith.constant 128 : i32
                %lt3A_139 = arith.cmpi slt, %get3A_126, %lt3A_138 : i32
                %mul3A_140 = arith.constant 1024 : i32
                %mul3A_141 = arith.muli %add3A, %mul3A_140 : i32
                %broadcast_in_dim3A_142 = vector.broadcast %mul3A_141 : i32 to vector<16xi32>
                %add3A_143 = arith.constant 1 : i32
                %add3A_144 = arith.addi %add3A, %add3A_143 : i32
                %jit3A = arith.constant 16 : i32
                %div3A = arith.divsi %add3A_144, %jit3A : i32
                %sign3A = arith.constant 0 : i32
                %sign3A_145 = arith.cmpi sgt, %add3A_144, %sign3A : i32
                %sign3A_146 = arith.extui %sign3A_145 : i1 to i32
                %sign3A_147 = arith.constant 0 : i32
                %sign3A_148 = arith.cmpi slt, %add3A_144, %sign3A_147 : i32
                %sign3A_149 = arith.extui %sign3A_148 : i1 to i32
                %sign3A_150 = arith.subi %sign3A_146, %sign3A_149 : i32
                %sign3A_151 = arith.constant 0 : i32
                %sign3A_152 = arith.cmpi sgt, %jit3A, %sign3A_151 : i32
                %sign3A_153 = arith.extui %sign3A_152 : i1 to i32
                %sign3A_154 = arith.constant 0 : i32
                %sign3A_155 = arith.cmpi slt, %jit3A, %sign3A_154 : i32
                %sign3A_156 = arith.extui %sign3A_155 : i1 to i32
                %sign3A_157 = arith.subi %sign3A_153, %sign3A_156 : i32
                %ne3A = arith.cmpi ne, %sign3A_150, %sign3A_157 : i32
                %rem3A = arith.remsi %add3A_144, %jit3A : i32
                %ne3A_158 = arith.constant 0 : i32
                %ne3A_159 = arith.cmpi ne, %rem3A, %ne3A_158 : i32
                %and3A_160 = arith.andi %ne3A, %ne3A_159 : i1
                %sub3A = arith.constant 1 : i32
                %sub3A_161 = arith.subi %div3A, %sub3A : i32
                %select_n3A = arith.select %and3A_160, %sub3A_161, %div3A : i32
                %parallel_loop3A = arith.constant 64 : i32
                %parallel_loop3A_162 = arith.constant 1 : i32
                %parallel_loop3A_163:2 = scf.for %parallel_loop3A_170 = %select_n3A to %parallel_loop3A step %parallel_loop3A_162 iter_args(%parallel_loop3A_171 = %get3A_123, %parallel_loop3A_172 = %get3A_126) -> (i32, i32)  : i32 {
                  %parallel_loop3A_173 = arith.constant 16 : i32
                  %parallel_loop3A_174 = arith.muli %parallel_loop3A_170, %parallel_loop3A_173 : i32
                  %parallel_loop3A_175 = arith.index_cast %parallel_loop3A_174 : i32 to index
                  %parallel_loop3A_176 = tpu.vector_load %arg5[%parallel_loop3A_175] {strides = array<i32>} : memref<1024xi32, #tpu.memory_space<vmem>>, vector<16xi32>,
                  %parallel_loop3A_177 = vector.broadcast %parallel_loop3A_174 : i32 to vector<16xi32>
                  %parallel_loop3A_178 = arith.addi %parallel_loop3A_177, %iota3A : vector<16xi32>
                  %parallel_loop3A_179 = vector.broadcast %add3A : i32 to vector<16xi32>
                  %parallel_loop3A_180 = arith.cmpi sgt, %parallel_loop3A_178, %parallel_loop3A_179 : vector<16xi32>
                  %parallel_loop3A_181 = arith.cmpi eq, %parallel_loop3A_176, %gather3A : vector<16xi32>
                  %parallel_loop3A_182 = arith.andi %parallel_loop3A_180, %parallel_loop3A_181 : vector<16xi1>
                  %parallel_loop3A_183 = arith.constant dense<true> : vector<16xi1>
                  %parallel_loop3A_184 = arith.xori %parallel_loop3A_181, %parallel_loop3A_183 : vector<16xi1>
                  %parallel_loop3A_185 = arith.andi %parallel_loop3A_180, %parallel_loop3A_184 : vector<16xi1>
                  %parallel_loop3A_186 = vector.broadcast %lt3A_139 : i1 to vector<16xi1>
                  %parallel_loop3A_187 = arith.andi %parallel_loop3A_185, %parallel_loop3A_186 : vector<16xi1>
                  %parallel_loop3A_188 = arith.addi %broadcast_in_dim3A_142, %parallel_loop3A_178 : vector<16xi32>
                  %parallel_loop3A_189 = arith.constant 15 : i32
                  %parallel_loop3A_190 = arith.addi %parallel_loop3A_174, %parallel_loop3A_189 : i32
                  %parallel_loop3A_191 = arith.subi %parallel_loop3A_190, %add3A : i32
                  %parallel_loop3A_192 = arith.constant 16 : i32
                  %parallel_loop3A_193 = arith.minsi %parallel_loop3A_192, %parallel_loop3A_191 : i32
                  %parallel_loop3A_194 = tpu.all_reduce %parallel_loop3A_182 {dim = 0 : i64, kind = #tpu.reduction_kind<sum>} : vector<16xi1> -> vector<16xi32>
                  %parallel_loop3A_195 = vector.extract_strided_slice %parallel_loop3A_194 {offsets = [0], sizes = [1], strides = [1]} : vector<16xi32> to vector<1xi32>
                  %parallel_loop3A_196 = vector.extract %parallel_loop3A_195[0] : i32 from vector<1xi32>
                  %parallel_loop3A_197 = arith.extui %parallel_loop3A_182 : vector<16xi1> to vector<16xi32>
                  %parallel_loop3A_198 = arith.constant true
                  %parallel_loop3A_199 = vector.broadcast %parallel_loop3A_198 : i1 to vector<16xi1>
                  %parallel_loop3A_200 = tpu.scan <sum>, %parallel_loop3A_197 masked %parallel_loop3A_199 : vector<16xi32>, vector<16xi1> -> vector<16xi32>
                  %parallel_loop3A_201 = vector.broadcast %parallel_loop3A_171 : i32 to vector<16xi32>
                  %parallel_loop3A_202 = arith.addi %parallel_loop3A_201, %parallel_loop3A_200 : vector<16xi32>
                  %parallel_loop3A_203 = arith.constant 1 : i32
                  %parallel_loop3A_204 = vector.broadcast %parallel_loop3A_203 : i32 to vector<16xi32>
                  %parallel_loop3A_205 = arith.subi %parallel_loop3A_202, %parallel_loop3A_204 : vector<16xi32>
                  %parallel_loop3A_206 = vector.broadcast %lt3A_137 : i1 to vector<16xi1>
                  %parallel_loop3A_207 = arith.andi %parallel_loop3A_182, %parallel_loop3A_206 : vector<16xi1>
                  tpu.vector_store_idx %arg6[%parallel_loop3A_205], %parallel_loop3A_188 masked %parallel_loop3A_207 : memref<1280xi32, #tpu.memory_space<vmem>>[vector<16xi32>], vector<16xi32>, vector<16xi1>
                  %parallel_loop3A_208 = arith.subi %parallel_loop3A_178, %broadcast_in_dim3A_135 : vector<16xi32>
                  %parallel_loop3A_209 = arith.constant 1 : i32
                  %parallel_loop3A_210 = vector.broadcast %parallel_loop3A_209 : i32 to vector<16xi32>
                  %parallel_loop3A_211 = arith.addi %iota3A, %parallel_loop3A_210 : vector<16xi32>
                  %parallel_loop3A_212 = arith.minsi %parallel_loop3A_208, %parallel_loop3A_211 : vector<16xi32>
                  %parallel_loop3A_213 = arith.subi %parallel_loop3A_212, %parallel_loop3A_200 : vector<16xi32>
                  %parallel_loop3A_214 = vector.broadcast %parallel_loop3A_172 : i32 to vector<16xi32>
                  %parallel_loop3A_215 = arith.addi %parallel_loop3A_214, %parallel_loop3A_213 : vector<16xi32>
                  %parallel_loop3A_216 = arith.constant 1 : i32
                  %parallel_loop3A_217 = vector.broadcast %parallel_loop3A_216 : i32 to vector<16xi32>
                  %parallel_loop3A_218 = arith.subi %parallel_loop3A_215, %parallel_loop3A_217 : vector<16xi32>
                  tpu.vector_store_idx %arg7[%parallel_loop3A_218], %parallel_loop3A_188 masked %parallel_loop3A_187 : memref<1280xi32, #tpu.memory_space<vmem>>[vector<16xi32>], vector<16xi32>, vector<16xi1>
                  %parallel_loop3A_219 = arith.constant 0 : i32
                  %parallel_loop3A_220 = arith.select %lt3A_137, %parallel_loop3A_196, %parallel_loop3A_219 : i32
                  %parallel_loop3A_221 = arith.addi %parallel_loop3A_171, %parallel_loop3A_220 : i32
                  %parallel_loop3A_222 = arith.subi %parallel_loop3A_193, %parallel_loop3A_196 : i32
                  %parallel_loop3A_223 = arith.constant 0 : i32
                  %parallel_loop3A_224 = arith.select %lt3A_139, %parallel_loop3A_222, %parallel_loop3A_223 : i32
                  %parallel_loop3A_225 = arith.addi %parallel_loop3A_172, %parallel_loop3A_224 : i32
                  scf.yield %parallel_loop3A_221, %parallel_loop3A_225 : i32, i32
                } {sc.loop_unroll_factor = 4 : i64, sc.parallel_access}
                %swap3A_164 = arith.constant 0 : i32
                %swap3A_165 = arith.index_cast %swap3A_164 : i32 to index
                %swap3A_166 = memref.load %arg19[%swap3A_165] : memref<2xi32, #tpu.memory_space<smem>>
                memref.store %parallel_loop3A_163#0, %arg19[%swap3A_165] : memref<2xi32, #tpu.memory_space<smem>>
                %swap3A_167 = arith.constant 1 : i32
                %swap3A_168 = arith.index_cast %swap3A_167 : i32 to index
                %swap3A_169 = memref.load %arg19[%swap3A_168] : memref<2xi32, #tpu.memory_space<smem>>
                memref.store %parallel_loop3A_163#1, %arg19[%swap3A_168] : memref<2xi32, #tpu.memory_space<smem>>
              } else {
              }
            } else {
            }
          }
          %scan3A_113 = arith.constant 16 : i32
        } else {
        }
      }
      %scan3A_95 = arith.constant 64 : i32
      "tpu.region"() ({
        %run_scoped3A = tpu.sem_alloc : memref<!tpu.dma_semaphore, #tpu.memory_space<semaphore_mem>>
        %dma_start3A = arith.constant 0 : i32
        %dma_start3A_96 = tpu.memref_slice %arg6[%dma_start3A] : memref<1280xi32, #tpu.memory_space<vmem>> -> memref<128xi32, #tpu.memory_space<vmem>>
        %dma_start3A_97 = arith.constant 0 : i32
        %dma_start3A_98 = tpu.memref_slice %arg8[%dma_start3A_97] : memref<256xi32, #tpu.memory_space<vmem_shared>> -> memref<128xi32, #tpu.memory_space<vmem_shared>>
        %dma_start3A_99 = arith.constant 0 : i32
        %dma_start3A_100 = tpu.memref_slice %arg8[%dma_start3A_99] : memref<256xi32, #tpu.memory_space<vmem_shared>> -> memref<128xi32, #tpu.memory_space<vmem_shared>>
        %dma_start3A_101 = arith.constant 0 : i32
        %dma_start3A_102 = tpu.memref_slice %arg6[%dma_start3A_101] : memref<1280xi32, #tpu.memory_space<vmem>> -> memref<128xi32, #tpu.memory_space<vmem>>
        tpu.enqueue_dma source(%dma_start3A_102 : memref<128xi32, #tpu.memory_space<vmem>>) target(%dma_start3A_100 : memref<128xi32, #tpu.memory_space<vmem_shared>>) target_semaphore(%run_scoped3A : memref<!tpu.dma_semaphore, #tpu.memory_space<semaphore_mem>>)
        %dma_wait3A = arith.constant 0 : i32
        %dma_wait3A_103 = tpu.memref_slice %arg6[%dma_wait3A] : memref<1280xi32, #tpu.memory_space<vmem>> -> memref<128xi32, #tpu.memory_space<vmem>>
        %dma_wait3A_104 = arith.constant 0 : i32
        %dma_wait3A_105 = tpu.memref_slice %arg8[%dma_wait3A_104] : memref<256xi32, #tpu.memory_space<vmem_shared>> -> memref<128xi32, #tpu.memory_space<vmem_shared>>
        %dma_wait3A_106 = arith.constant 0 : i32
        %dma_wait3A_107 = tpu.memref_slice %arg8[%dma_wait3A_106] : memref<256xi32, #tpu.memory_space<vmem_shared>> -> memref<128xi32, #tpu.memory_space<vmem_shared>>
        %dma_wait3A_108 = arith.constant 0 : i32
        %dma_wait3A_109 = tpu.memref_slice %arg6[%dma_wait3A_108] : memref<1280xi32, #tpu.memory_space<vmem>> -> memref<128xi32, #tpu.memory_space<vmem>>
        tpu.wait_dma2 semaphore(%run_scoped3A : memref<!tpu.dma_semaphore, #tpu.memory_space<semaphore_mem>>) src(%dma_wait3A_109 : memref<128xi32, #tpu.memory_space<vmem>>) dst(%dma_wait3A_107 : memref<128xi32, #tpu.memory_space<vmem_shared>>)
        tpu.yield
      }) : () -> ()
      "tpu.region"() ({
        %run_scoped3A = tpu.sem_alloc : memref<!tpu.dma_semaphore, #tpu.memory_space<semaphore_mem>>
        %dma_start3A = arith.constant 0 : i32
        %dma_start3A_96 = tpu.memref_slice %arg7[%dma_start3A] : memref<1280xi32, #tpu.memory_space<vmem>> -> memref<128xi32, #tpu.memory_space<vmem>>
        %dma_start3A_97 = arith.constant 128 : i32
        %dma_start3A_98 = tpu.memref_slice %arg8[%dma_start3A_97] : memref<256xi32, #tpu.memory_space<vmem_shared>> -> memref<128xi32, #tpu.memory_space<vmem_shared>>
        %dma_start3A_99 = arith.constant 128 : i32
        %dma_start3A_100 = tpu.memref_slice %arg8[%dma_start3A_99] : memref<256xi32, #tpu.memory_space<vmem_shared>> -> memref<128xi32, #tpu.memory_space<vmem_shared>>
        %dma_start3A_101 = arith.constant 0 : i32
        %dma_start3A_102 = tpu.memref_slice %arg7[%dma_start3A_101] : memref<1280xi32, #tpu.memory_space<vmem>> -> memref<128xi32, #tpu.memory_space<vmem>>
        tpu.enqueue_dma source(%dma_start3A_102 : memref<128xi32, #tpu.memory_space<vmem>>) target(%dma_start3A_100 : memref<128xi32, #tpu.memory_space<vmem_shared>>) target_semaphore(%run_scoped3A : memref<!tpu.dma_semaphore, #tpu.memory_space<semaphore_mem>>)
        %dma_wait3A = arith.constant 0 : i32
        %dma_wait3A_103 = tpu.memref_slice %arg7[%dma_wait3A] : memref<1280xi32, #tpu.memory_space<vmem>> -> memref<128xi32, #tpu.memory_space<vmem>>
        %dma_wait3A_104 = arith.constant 128 : i32
        %dma_wait3A_105 = tpu.memref_slice %arg8[%dma_wait3A_104] : memref<256xi32, #tpu.memory_space<vmem_shared>> -> memref<128xi32, #tpu.memory_space<vmem_shared>>
        %dma_wait3A_106 = arith.constant 128 : i32
        %dma_wait3A_107 = tpu.memref_slice %arg8[%dma_wait3A_106] : memref<256xi32, #tpu.memory_space<vmem_shared>> -> memref<128xi32, #tpu.memory_space<vmem_shared>>
        %dma_wait3A_108 = arith.constant 0 : i32
        %dma_wait3A_109 = tpu.memref_slice %arg7[%dma_wait3A_108] : memref<1280xi32, #tpu.memory_space<vmem>> -> memref<128xi32, #tpu.memory_space<vmem>>
        tpu.wait_dma2 semaphore(%run_scoped3A : memref<!tpu.dma_semaphore, #tpu.memory_space<semaphore_mem>>) src(%dma_wait3A_109 : memref<128xi32, #tpu.memory_space<vmem>>) dst(%dma_wait3A_107 : memref<128xi32, #tpu.memory_space<vmem_shared>>)
        tpu.yield
      }) : () -> ()
    } else {
    }
    %barrier3A = arith.constant 0 : index
    tpu.barrier barrier_id(%barrier3A)
    %eq3A_4 = arith.constant 0 : i32
    %eq3A_5 = arith.cmpi eq, %arg0, %eq3A_4 : i32
    %convert_element_type3A_6 = arith.extui %eq3A_5 : i1 to i32
    %cond3A_7 = arith.constant 0 : i32
    %cond3A_8 = arith.cmpi ne, %convert_element_type3A_6, %cond3A_7 : i32
    scf.if %cond3A_8 {
      "tpu.region"() ({
        %run_scoped3A = tpu.sem_alloc : memref<!tpu.dma_semaphore, #tpu.memory_space<semaphore_mem>>
        tpu.enqueue_dma source(%arg8 : memref<256xi32, #tpu.memory_space<vmem_shared>>) target(%arg10 : memref<256xi32, #tpu.memory_space<vmem>>) target_semaphore(%run_scoped3A : memref<!tpu.dma_semaphore, #tpu.memory_space<semaphore_mem>>)
        tpu.wait_dma2 semaphore(%run_scoped3A : memref<!tpu.dma_semaphore, #tpu.memory_space<semaphore_mem>>) src(%arg8 : memref<256xi32, #tpu.memory_space<vmem_shared>>) dst(%arg10 : memref<256xi32, #tpu.memory_space<vmem>>)
        tpu.yield
      }) : () -> ()
      %get3A = arith.constant 0 : index
      %get3A_13 = tpu.vector_load %arg10[%get3A] {strides = array<i32>} : memref<256xi32, #tpu.memory_space<vmem>>, vector<16xi32>,
      %shift_right_arithmetic3A = arith.constant 10 : i32
      %shift_right_arithmetic3A_14 = vector.broadcast %shift_right_arithmetic3A : i32 to vector<16xi32>
      %shift_right_arithmetic3A_15 = arith.shrsi %get3A_13, %shift_right_arithmetic3A_14 : vector<16xi32>
      %swap3A = arith.constant 0 : index
      %swap3A_16 = tpu.vector_load %arg11[%swap3A] {strides = array<i32>} : memref<512xi32, #tpu.memory_space<vmem>>, vector<16xi32>,
      tpu.vector_store %arg11[%swap3A], %shift_right_arithmetic3A_15 {strides = array<i32>} : memref<512xi32, #tpu.memory_space<vmem>>, vector<16xi32>,
      %and3A_17 = arith.constant 1023 : i32
      %and3A_18 = vector.broadcast %and3A_17 : i32 to vector<16xi32>
      %and3A_19 = arith.andi %get3A_13, %and3A_18 : vector<16xi32>
      %swap3A_20 = arith.constant 128 : index
      %swap3A_21 = tpu.vector_load %arg11[%swap3A_20] {strides = array<i32>} : memref<512xi32, #tpu.memory_space<vmem>>, vector<16xi32>,
      tpu.vector_store %arg11[%swap3A_20], %and3A_19 {strides = array<i32>} : memref<512xi32, #tpu.memory_space<vmem>>, vector<16xi32>,
      %get3A_22 = arith.constant 128 : index
      %get3A_23 = tpu.vector_load %arg10[%get3A_22] {strides = array<i32>} : memref<256xi32, #tpu.memory_space<vmem>>, vector<16xi32>,
      %shift_right_arithmetic3A_24 = arith.constant 10 : i32
      %shift_right_arithmetic3A_25 = vector.broadcast %shift_right_arithmetic3A_24 : i32 to vector<16xi32>
      %shift_right_arithmetic3A_26 = arith.shrsi %get3A_23, %shift_right_arithmetic3A_25 : vector<16xi32>
      %swap3A_27 = arith.constant 256 : index
      %swap3A_28 = tpu.vector_load %arg11[%swap3A_27] {strides = array<i32>} : memref<512xi32, #tpu.memory_space<vmem>>, vector<16xi32>,
      tpu.vector_store %arg11[%swap3A_27], %shift_right_arithmetic3A_26 {strides = array<i32>} : memref<512xi32, #tpu.memory_space<vmem>>, vector<16xi32>,
      %and3A_29 = arith.constant 1023 : i32
      %and3A_30 = vector.broadcast %and3A_29 : i32 to vector<16xi32>
      %and3A_31 = arith.andi %get3A_23, %and3A_30 : vector<16xi32>
      %swap3A_32 = arith.constant 384 : index
      %swap3A_33 = tpu.vector_load %arg11[%swap3A_32] {strides = array<i32>} : memref<512xi32, #tpu.memory_space<vmem>>, vector<16xi32>,
      tpu.vector_store %arg11[%swap3A_32], %and3A_31 {strides = array<i32>} : memref<512xi32, #tpu.memory_space<vmem>>, vector<16xi32>,
      %get3A_34 = arith.constant 16 : index
      %get3A_35 = tpu.vector_load %arg10[%get3A_34] {strides = array<i32>} : memref<256xi32, #tpu.memory_space<vmem>>, vector<16xi32>,
      %shift_right_arithmetic3A_36 = arith.constant 10 : i32
      %shift_right_arithmetic3A_37 = vector.broadcast %shift_right_arithmetic3A_36 : i32 to vector<16xi32>
      %shift_right_arithmetic3A_38 = arith.shrsi %get3A_35, %shift_right_arithmetic3A_37 : vector<16xi32>
      %swap3A_39 = arith.constant 16 : index
      %swap3A_40 = tpu.vector_load %arg11[%swap3A_39] {strides = array<i32>} : memref<512xi32, #tpu.memory_space<vmem>>, vector<16xi32>,
      tpu.vector_store %arg11[%swap3A_39], %shift_right_arithmetic3A_38 {strides = array<i32>} : memref<512xi32, #tpu.memory_space<vmem>>, vector<16xi32>,
      %and3A_41 = arith.constant 1023 : i32
      %and3A_42 = vector.broadcast %and3A_41 : i32 to vector<16xi32>
      %and3A_43 = arith.andi %get3A_35, %and3A_42 : vector<16xi32>
      %swap3A_44 = arith.constant 144 : index
      %swap3A_45 = tpu.vector_load %arg11[%swap3A_44] {strides = array<i32>} : memref<512xi32, #tpu.memory_space<vmem>>, vector<16xi32>,
      tpu.vector_store %arg11[%swap3A_44], %and3A_43 {strides = array<i32>} : memref<512xi32, #tpu.memory_space<vmem>>, vector<16xi32>,
      %get3A_46 = arith.constant 144 : index
      %get3A_47 = tpu.vector_load %arg10[%get3A_46] {strides = array<i32>} : memref<256xi32, #tpu.memory_space<vmem>>, vector<16xi32>,
      %shift_right_arithmetic3A_48 = arith.constant 10 : i32
      %shift_right_arithmetic3A_49 = vector.broadcast %shift_right_arithmetic3A_48 : i32 to vector<16xi32>
      %shift_right_arithmetic3A_50 = arith.shrsi %get3A_47, %shift_right_arithmetic3A_49 : vector<16xi32>
      %swap3A_51 = arith.constant 272 : index
      %swap3A_52 = tpu.vector_load %arg11[%swap3A_51] {strides = array<i32>} : memref<512xi32, #tpu.memory_space<vmem>>, vector<16xi32>,
      tpu.vector_store %arg11[%swap3A_51], %shift_right_arithmetic3A_50 {strides = array<i32>} : memref<512xi32, #tpu.memory_space<vmem>>, vector<16xi32>,
      %and3A_53 = arith.constant 1023 : i32
      %and3A_54 = vector.broadcast %and3A_53 : i32 to vector<16xi32>
      %and3A_55 = arith.andi %get3A_47, %and3A_54 : vector<16xi32>
      %swap3A_56 = arith.constant 400 : index
      %swap3A_57 = tpu.vector_load %arg11[%swap3A_56] {strides = array<i32>} : memref<512xi32, #tpu.memory_space<vmem>>, vector<16xi32>,
      tpu.vector_store %arg11[%swap3A_56], %and3A_55 {strides = array<i32>} : memref<512xi32, #tpu.memory_space<vmem>>, vector<16xi32>,
      %get3A_58 = arith.constant 32 : index
      %get3A_59 = tpu.vector_load %arg10[%get3A_58] {strides = array<i32>} : memref<256xi32, #tpu.memory_space<vmem>>, vector<16xi32>,
      %shift_right_arithmetic3A_60 = arith.constant 10 : i32
      %shift_right_arithmetic3A_61 = vector.broadcast %shift_right_arithmetic3A_60 : i32 to vector<16xi32>
      %shift_right_arithmetic3A_62 = arith.shrsi %get3A_59, %shift_right_arithmetic3A_61 : vector<16xi32>
      %swap3A_63 = arith.constant 32 : index
      %swap3A_64 = tpu.vector_load %arg11[%swap3A_63] {strides = array<i32>} : memref<512xi32, #tpu.memory_space<vmem>>, vector<16xi32>,
      tpu.vector_store %arg11[%swap3A_63], %shift_right_arithmetic3A_62 {strides = array<i32>} : memref<512xi32, #tpu.memory_space<vmem>>, vector<16xi32>,
      %and3A_65 = arith.constant 1023 : i32
      %and3A_66 = vector.broadcast %and3A_65 : i32 to vector<16xi32>
      %and3A_67 = arith.andi %get3A_59, %and3A_66 : vector<16xi32>
      %swap3A_68 = arith.constant 160 : index
      %swap3A_69 = tpu.vector_load %arg11[%swap3A_68] {strides = array<i32>} : memref<512xi32, #tpu.memory_space<vmem>>, vector<16xi32>,
      tpu.vector_store %arg11[%swap3A_68], %and3A_67 {strides = array<i32>} : memref<512xi32, #tpu.memory_space<vmem>>, vector<16xi32>,
      %get3A_70 = arith.constant 160 : index
      %get3A_71 = tpu.vector_load %arg10[%get3A_70] {strides = array<i32>} : memref<256xi32, #tpu.memory_space<vmem>>, vector<16xi32>,
      %shift_right_arithmetic3A_72 = arith.constant 10 : i32
      %shift_right_arithmetic3A_73 = vector.broadcast %shift_right_arithmetic3A_72 : i32 to vector<16xi32>
      %shift_right_arithmetic3A_74 = arith.shrsi %get3A_71, %shift_right_arithmetic3A_73 : vector<16xi32>
      %swap3A_75 = arith.constant 288 : index
      %swap3A_76 = tpu.vector_load %arg11[%swap3A_75] {strides = array<i32>} : memref<512xi32, #tpu.memory_space<vmem>>, vector<16xi32>,
      tpu.vector_store %arg11[%swap3A_75], %shift_right_arithmetic3A_74 {strides = array<i32>} : memref<512xi32, #tpu.memory_space<vmem>>, vector<16xi32>,
      %and3A_77 = arith.constant 1023 : i32
      %and3A_78 = vector.broadcast %and3A_77 : i32 to vector<16xi32>
      %and3A_79 = arith.andi %get3A_71, %and3A_78 : vector<16xi32>
      %swap3A_80 = arith.constant 416 : index
      %swap3A_81 = tpu.vector_load %arg11[%swap3A_80] {strides = array<i32>} : memref<512xi32, #tpu.memory_space<vmem>>, vector<16xi32>,
      tpu.vector_store %arg11[%swap3A_80], %and3A_79 {strides = array<i32>} : memref<512xi32, #tpu.memory_space<vmem>>, vector<16xi32>,
      %get3A_82 = arith.constant 48 : index
      %get3A_83 = tpu.vector_load %arg10[%get3A_82] {strides = array<i32>} : memref<256xi32, #tpu.memory_space<vmem>>, vector<16xi32>,
      %shift_right_arithmetic3A_84 = arith.constant 10 : i32
      %shift_right_arithmetic3A_85 = vector.broadcast %shift_right_arithmetic3A_84 : i32 to vector<16xi32>
      %shift_right_arithmetic3A_86 = arith.shrsi %get3A_83, %shift_right_arithmetic3A_85 : vector<16xi32>
      %swap3A_87 = arith.constant 48 : index
      %swap3A_88 = tpu.vector_load %arg11[%swap3A_87] {strides = array<i32>} : memref<512xi32, #tpu.memory_space<vmem>>, vector<16xi32>,
      tpu.vector_store %arg11[%swap3A_87], %shift_right_arithmetic3A_86 {strides = array<i32>} : memref<512xi32, #tpu.memory_space<vmem>>, vector<16xi32>,
      %and3A_89 = arith.constant 1023 : i32
      %and3A_90 = vector.broadcast %and3A_89 : i32 to vector<16xi32>
      %and3A_91 = arith.andi %get3A_83, %and3A_90 : vector<16xi32>
      %swap3A_92 = arith.constant 176 : index
      %swap3A_93 = tpu.vector_load %arg11[%swap3A_92] {strides = array<i32>} : memref<512xi32, #tpu.memory_space<vmem>>, vector<16xi32>,
      tpu.vector_store %arg11[%swap3A_92], %and3A_91 {strides = array<i32>} : memref<512xi32, #tpu.memory_space<vmem>>, vector<16xi32>,
      %get3A_94 = arith.constant 176 : index
      %get3A_95 = tpu.vector_load %arg10[%get3A_94] {strides = array<i32>} : memref<256xi32, #tpu.memory_space<vmem>>, vector<16xi32>,
      %shift_right_arithmetic3A_96 = arith.constant 10 : i32
      %shift_right_arithmetic3A_97 = vector.broadcast %shift_right_arithmetic3A_96 : i32 to vector<16xi32>
      %shift_right_arithmetic3A_98 = arith.shrsi %get3A_95, %shift_right_arithmetic3A_97 : vector<16xi32>
      %swap3A_99 = arith.constant 304 : index
      %swap3A_100 = tpu.vector_load %arg11[%swap3A_99] {strides = array<i32>} : memref<512xi32, #tpu.memory_space<vmem>>, vector<16xi32>,
      tpu.vector_store %arg11[%swap3A_99], %shift_right_arithmetic3A_98 {strides = array<i32>} : memref<512xi32, #tpu.memory_space<vmem>>, vector<16xi32>,
      %and3A_101 = arith.constant 1023 : i32
      %and3A_102 = vector.broadcast %and3A_101 : i32 to vector<16xi32>
      %and3A_103 = arith.andi %get3A_95, %and3A_102 : vector<16xi32>
      %swap3A_104 = arith.constant 432 : index
      %swap3A_105 = tpu.vector_load %arg11[%swap3A_104] {strides = array<i32>} : memref<512xi32, #tpu.memory_space<vmem>>, vector<16xi32>,
      tpu.vector_store %arg11[%swap3A_104], %and3A_103 {strides = array<i32>} : memref<512xi32, #tpu.memory_space<vmem>>, vector<16xi32>,
      %get3A_106 = arith.constant 64 : index
      %get3A_107 = tpu.vector_load %arg10[%get3A_106] {strides = array<i32>} : memref<256xi32, #tpu.memory_space<vmem>>, vector<16xi32>,
      %shift_right_arithmetic3A_108 = arith.constant 10 : i32
      %shift_right_arithmetic3A_109 = vector.broadcast %shift_right_arithmetic3A_108 : i32 to vector<16xi32>
      %shift_right_arithmetic3A_110 = arith.shrsi %get3A_107, %shift_right_arithmetic3A_109 : vector<16xi32>
      %swap3A_111 = arith.constant 64 : index
      %swap3A_112 = tpu.vector_load %arg11[%swap3A_111] {strides = array<i32>} : memref<512xi32, #tpu.memory_space<vmem>>, vector<16xi32>,
      tpu.vector_store %arg11[%swap3A_111], %shift_right_arithmetic3A_110 {strides = array<i32>} : memref<512xi32, #tpu.memory_space<vmem>>, vector<16xi32>,
      %and3A_113 = arith.constant 1023 : i32
      %and3A_114 = vector.broadcast %and3A_113 : i32 to vector<16xi32>
      %and3A_115 = arith.andi %get3A_107, %and3A_114 : vector<16xi32>
      %swap3A_116 = arith.constant 192 : index
      %swap3A_117 = tpu.vector_load %arg11[%swap3A_116] {strides = array<i32>} : memref<512xi32, #tpu.memory_space<vmem>>, vector<16xi32>,
      tpu.vector_store %arg11[%swap3A_116], %and3A_115 {strides = array<i32>} : memref<512xi32, #tpu.memory_space<vmem>>, vector<16xi32>,
      %get3A_118 = arith.constant 192 : index
      %get3A_119 = tpu.vector_load %arg10[%get3A_118] {strides = array<i32>} : memref<256xi32, #tpu.memory_space<vmem>>, vector<16xi32>,
      %shift_right_arithmetic3A_120 = arith.constant 10 : i32
      %shift_right_arithmetic3A_121 = vector.broadcast %shift_right_arithmetic3A_120 : i32 to vector<16xi32>
      %shift_right_arithmetic3A_122 = arith.shrsi %get3A_119, %shift_right_arithmetic3A_121 : vector<16xi32>
      %swap3A_123 = arith.constant 320 : index
      %swap3A_124 = tpu.vector_load %arg11[%swap3A_123] {strides = array<i32>} : memref<512xi32, #tpu.memory_space<vmem>>, vector<16xi32>,
      tpu.vector_store %arg11[%swap3A_123], %shift_right_arithmetic3A_122 {strides = array<i32>} : memref<512xi32, #tpu.memory_space<vmem>>, vector<16xi32>,
      %and3A_125 = arith.constant 1023 : i32
      %and3A_126 = vector.broadcast %and3A_125 : i32 to vector<16xi32>
      %and3A_127 = arith.andi %get3A_119, %and3A_126 : vector<16xi32>
      %swap3A_128 = arith.constant 448 : index
      %swap3A_129 = tpu.vector_load %arg11[%swap3A_128] {strides = array<i32>} : memref<512xi32, #tpu.memory_space<vmem>>, vector<16xi32>,
      tpu.vector_store %arg11[%swap3A_128], %and3A_127 {strides = array<i32>} : memref<512xi32, #tpu.memory_space<vmem>>, vector<16xi32>,
      %get3A_130 = arith.constant 80 : index
      %get3A_131 = tpu.vector_load %arg10[%get3A_130] {strides = array<i32>} : memref<256xi32, #tpu.memory_space<vmem>>, vector<16xi32>,
      %shift_right_arithmetic3A_132 = arith.constant 10 : i32
      %shift_right_arithmetic3A_133 = vector.broadcast %shift_right_arithmetic3A_132 : i32 to vector<16xi32>
      %shift_right_arithmetic3A_134 = arith.shrsi %get3A_131, %shift_right_arithmetic3A_133 : vector<16xi32>
      %swap3A_135 = arith.constant 80 : index
      %swap3A_136 = tpu.vector_load %arg11[%swap3A_135] {strides = array<i32>} : memref<512xi32, #tpu.memory_space<vmem>>, vector<16xi32>,
      tpu.vector_store %arg11[%swap3A_135], %shift_right_arithmetic3A_134 {strides = array<i32>} : memref<512xi32, #tpu.memory_space<vmem>>, vector<16xi32>,
      %and3A_137 = arith.constant 1023 : i32
      %and3A_138 = vector.broadcast %and3A_137 : i32 to vector<16xi32>
      %and3A_139 = arith.andi %get3A_131, %and3A_138 : vector<16xi32>
      %swap3A_140 = arith.constant 208 : index
      %swap3A_141 = tpu.vector_load %arg11[%swap3A_140] {strides = array<i32>} : memref<512xi32, #tpu.memory_space<vmem>>, vector<16xi32>,
      tpu.vector_store %arg11[%swap3A_140], %and3A_139 {strides = array<i32>} : memref<512xi32, #tpu.memory_space<vmem>>, vector<16xi32>,
      %get3A_142 = arith.constant 208 : index
      %get3A_143 = tpu.vector_load %arg10[%get3A_142] {strides = array<i32>} : memref<256xi32, #tpu.memory_space<vmem>>, vector<16xi32>,
      %shift_right_arithmetic3A_144 = arith.constant 10 : i32
      %shift_right_arithmetic3A_145 = vector.broadcast %shift_right_arithmetic3A_144 : i32 to vector<16xi32>
      %shift_right_arithmetic3A_146 = arith.shrsi %get3A_143, %shift_right_arithmetic3A_145 : vector<16xi32>
      %swap3A_147 = arith.constant 336 : index
      %swap3A_148 = tpu.vector_load %arg11[%swap3A_147] {strides = array<i32>} : memref<512xi32, #tpu.memory_space<vmem>>, vector<16xi32>,
      tpu.vector_store %arg11[%swap3A_147], %shift_right_arithmetic3A_146 {strides = array<i32>} : memref<512xi32, #tpu.memory_space<vmem>>, vector<16xi32>,
      %and3A_149 = arith.constant 1023 : i32
      %and3A_150 = vector.broadcast %and3A_149 : i32 to vector<16xi32>
      %and3A_151 = arith.andi %get3A_143, %and3A_150 : vector<16xi32>
      %swap3A_152 = arith.constant 464 : index
      %swap3A_153 = tpu.vector_load %arg11[%swap3A_152] {strides = array<i32>} : memref<512xi32, #tpu.memory_space<vmem>>, vector<16xi32>,
      tpu.vector_store %arg11[%swap3A_152], %and3A_151 {strides = array<i32>} : memref<512xi32, #tpu.memory_space<vmem>>, vector<16xi32>,
      %get3A_154 = arith.constant 96 : index
      %get3A_155 = tpu.vector_load %arg10[%get3A_154] {strides = array<i32>} : memref<256xi32, #tpu.memory_space<vmem>>, vector<16xi32>,
      %shift_right_arithmetic3A_156 = arith.constant 10 : i32
      %shift_right_arithmetic3A_157 = vector.broadcast %shift_right_arithmetic3A_156 : i32 to vector<16xi32>
      %shift_right_arithmetic3A_158 = arith.shrsi %get3A_155, %shift_right_arithmetic3A_157 : vector<16xi32>
      %swap3A_159 = arith.constant 96 : index
      %swap3A_160 = tpu.vector_load %arg11[%swap3A_159] {strides = array<i32>} : memref<512xi32, #tpu.memory_space<vmem>>, vector<16xi32>,
      tpu.vector_store %arg11[%swap3A_159], %shift_right_arithmetic3A_158 {strides = array<i32>} : memref<512xi32, #tpu.memory_space<vmem>>, vector<16xi32>,
      %and3A_161 = arith.constant 1023 : i32
      %and3A_162 = vector.broadcast %and3A_161 : i32 to vector<16xi32>
      %and3A_163 = arith.andi %get3A_155, %and3A_162 : vector<16xi32>
      %swap3A_164 = arith.constant 224 : index
      %swap3A_165 = tpu.vector_load %arg11[%swap3A_164] {strides = array<i32>} : memref<512xi32, #tpu.memory_space<vmem>>, vector<16xi32>,
      tpu.vector_store %arg11[%swap3A_164], %and3A_163 {strides = array<i32>} : memref<512xi32, #tpu.memory_space<vmem>>, vector<16xi32>,
      %get3A_166 = arith.constant 224 : index
      %get3A_167 = tpu.vector_load %arg10[%get3A_166] {strides = array<i32>} : memref<256xi32, #tpu.memory_space<vmem>>, vector<16xi32>,
      %shift_right_arithmetic3A_168 = arith.constant 10 : i32
      %shift_right_arithmetic3A_169 = vector.broadcast %shift_right_arithmetic3A_168 : i32 to vector<16xi32>
      %shift_right_arithmetic3A_170 = arith.shrsi %get3A_167, %shift_right_arithmetic3A_169 : vector<16xi32>
      %swap3A_171 = arith.constant 352 : index
      %swap3A_172 = tpu.vector_load %arg11[%swap3A_171] {strides = array<i32>} : memref<512xi32, #tpu.memory_space<vmem>>, vector<16xi32>,
      tpu.vector_store %arg11[%swap3A_171], %shift_right_arithmetic3A_170 {strides = array<i32>} : memref<512xi32, #tpu.memory_space<vmem>>, vector<16xi32>,
      %and3A_173 = arith.constant 1023 : i32
      %and3A_174 = vector.broadcast %and3A_173 : i32 to vector<16xi32>
      %and3A_175 = arith.andi %get3A_167, %and3A_174 : vector<16xi32>
      %swap3A_176 = arith.constant 480 : index
      %swap3A_177 = tpu.vector_load %arg11[%swap3A_176] {strides = array<i32>} : memref<512xi32, #tpu.memory_space<vmem>>, vector<16xi32>,
      tpu.vector_store %arg11[%swap3A_176], %and3A_175 {strides = array<i32>} : memref<512xi32, #tpu.memory_space<vmem>>, vector<16xi32>,
      %get3A_178 = arith.constant 112 : index
      %get3A_179 = tpu.vector_load %arg10[%get3A_178] {strides = array<i32>} : memref<256xi32, #tpu.memory_space<vmem>>, vector<16xi32>,
      %shift_right_arithmetic3A_180 = arith.constant 10 : i32
      %shift_right_arithmetic3A_181 = vector.broadcast %shift_right_arithmetic3A_180 : i32 to vector<16xi32>
      %shift_right_arithmetic3A_182 = arith.shrsi %get3A_179, %shift_right_arithmetic3A_181 : vector<16xi32>
      %swap3A_183 = arith.constant 112 : index
      %swap3A_184 = tpu.vector_load %arg11[%swap3A_183] {strides = array<i32>} : memref<512xi32, #tpu.memory_space<vmem>>, vector<16xi32>,
      tpu.vector_store %arg11[%swap3A_183], %shift_right_arithmetic3A_182 {strides = array<i32>} : memref<512xi32, #tpu.memory_space<vmem>>, vector<16xi32>,
      %and3A_185 = arith.constant 1023 : i32
      %and3A_186 = vector.broadcast %and3A_185 : i32 to vector<16xi32>
      %and3A_187 = arith.andi %get3A_179, %and3A_186 : vector<16xi32>
      %swap3A_188 = arith.constant 240 : index
      %swap3A_189 = tpu.vector_load %arg11[%swap3A_188] {strides = array<i32>} : memref<512xi32, #tpu.memory_space<vmem>>, vector<16xi32>,
      tpu.vector_store %arg11[%swap3A_188], %and3A_187 {strides = array<i32>} : memref<512xi32, #tpu.memory_space<vmem>>, vector<16xi32>,
      %get3A_190 = arith.constant 240 : index
      %get3A_191 = tpu.vector_load %arg10[%get3A_190] {strides = array<i32>} : memref<256xi32, #tpu.memory_space<vmem>>, vector<16xi32>,
      %shift_right_arithmetic3A_192 = arith.constant 10 : i32
      %shift_right_arithmetic3A_193 = vector.broadcast %shift_right_arithmetic3A_192 : i32 to vector<16xi32>
      %shift_right_arithmetic3A_194 = arith.shrsi %get3A_191, %shift_right_arithmetic3A_193 : vector<16xi32>
      %swap3A_195 = arith.constant 368 : index
      %swap3A_196 = tpu.vector_load %arg11[%swap3A_195] {strides = array<i32>} : memref<512xi32, #tpu.memory_space<vmem>>, vector<16xi32>,
      tpu.vector_store %arg11[%swap3A_195], %shift_right_arithmetic3A_194 {strides = array<i32>} : memref<512xi32, #tpu.memory_space<vmem>>, vector<16xi32>,
      %and3A_197 = arith.constant 1023 : i32
      %and3A_198 = vector.broadcast %and3A_197 : i32 to vector<16xi32>
      %and3A_199 = arith.andi %get3A_191, %and3A_198 : vector<16xi32>
      %swap3A_200 = arith.constant 496 : index
      %swap3A_201 = tpu.vector_load %arg11[%swap3A_200] {strides = array<i32>} : memref<512xi32, #tpu.memory_space<vmem>>, vector<16xi32>,
      tpu.vector_store %arg11[%swap3A_200], %and3A_199 {strides = array<i32>} : memref<512xi32, #tpu.memory_space<vmem>>, vector<16xi32>,
      %mul3A = arith.constant 8 : i32
      %mul3A_202 = arith.muli %arg1, %mul3A : i32
      %dma_start3A = tpu.memref_slice %arg11[%mul3A_202] : memref<512xi32, #tpu.memory_space<vmem>> -> memref<8xi32, #tpu.memory_space<vmem>>
      %dma_start3A_203 = arith.constant 0 : i32
      %dma_start3A_204 = arith.constant 0 : i32
      %dma_start3A_205 = tpu.memref_slice %arg2[%dma_start3A_203, %dma_start3A_204] : memref<1024x128xf32, #tpu.memory_space<hbm>> -> memref<1024x128xf32, #tpu.memory_space<hbm>>
      tpu.enqueue_indirect_dma source(%dma_start3A_205 : memref<1024x128xf32, #tpu.memory_space<hbm>>) target(%arg12 : memref<8x128xf32, #tpu.memory_space<vmem>>) offsets(%dma_start3A : memref<8xi32, #tpu.memory_space<vmem>>) semaphore(%arg20 : memref<!tpu.dma_semaphore, #tpu.memory_space<semaphore_mem>>)
      %add3A = arith.constant 128 : i32
      %add3A_206 = arith.addi %add3A, %mul3A_202 : i32
      %dma_start3A_207 = tpu.memref_slice %arg11[%add3A_206] : memref<512xi32, #tpu.memory_space<vmem>> -> memref<8xi32, #tpu.memory_space<vmem>>
      %dma_start3A_208 = arith.constant 0 : i32
      %dma_start3A_209 = arith.constant 0 : i32
      %dma_start3A_210 = tpu.memref_slice %arg2[%dma_start3A_208, %dma_start3A_209] : memref<1024x128xf32, #tpu.memory_space<hbm>> -> memref<1024x128xf32, #tpu.memory_space<hbm>>
      tpu.enqueue_indirect_dma source(%dma_start3A_210 : memref<1024x128xf32, #tpu.memory_space<hbm>>) target(%arg13 : memref<8x128xf32, #tpu.memory_space<vmem>>) offsets(%dma_start3A_207 : memref<8xi32, #tpu.memory_space<vmem>>) semaphore(%arg20 : memref<!tpu.dma_semaphore, #tpu.memory_space<semaphore_mem>>)
      %add3A_211 = arith.constant 256 : i32
      %add3A_212 = arith.addi %add3A_211, %mul3A_202 : i32
      %dma_start3A_213 = tpu.memref_slice %arg11[%add3A_212] : memref<512xi32, #tpu.memory_space<vmem>> -> memref<8xi32, #tpu.memory_space<vmem>>
      %dma_start3A_214 = arith.constant 0 : i32
      %dma_start3A_215 = arith.constant 0 : i32
      %dma_start3A_216 = tpu.memref_slice %arg2[%dma_start3A_214, %dma_start3A_215] : memref<1024x128xf32, #tpu.memory_space<hbm>> -> memref<1024x128xf32, #tpu.memory_space<hbm>>
      tpu.enqueue_indirect_dma source(%dma_start3A_216 : memref<1024x128xf32, #tpu.memory_space<hbm>>) target(%arg14 : memref<8x128xf32, #tpu.memory_space<vmem>>) offsets(%dma_start3A_213 : memref<8xi32, #tpu.memory_space<vmem>>) semaphore(%arg20 : memref<!tpu.dma_semaphore, #tpu.memory_space<semaphore_mem>>)
      %add3A_217 = arith.constant 384 : i32
      %add3A_218 = arith.addi %add3A_217, %mul3A_202 : i32
      %dma_start3A_219 = tpu.memref_slice %arg11[%add3A_218] : memref<512xi32, #tpu.memory_space<vmem>> -> memref<8xi32, #tpu.memory_space<vmem>>
      %dma_start3A_220 = arith.constant 0 : i32
      %dma_start3A_221 = arith.constant 0 : i32
      %dma_start3A_222 = tpu.memref_slice %arg2[%dma_start3A_220, %dma_start3A_221] : memref<1024x128xf32, #tpu.memory_space<hbm>> -> memref<1024x128xf32, #tpu.memory_space<hbm>>
      tpu.enqueue_indirect_dma source(%dma_start3A_222 : memref<1024x128xf32, #tpu.memory_space<hbm>>) target(%arg15 : memref<8x128xf32, #tpu.memory_space<vmem>>) offsets(%dma_start3A_219 : memref<8xi32, #tpu.memory_space<vmem>>) semaphore(%arg20 : memref<!tpu.dma_semaphore, #tpu.memory_space<semaphore_mem>>)
      %dma_wait3A = tpu.memref_slice %arg11[%mul3A_202] : memref<512xi32, #tpu.memory_space<vmem>> -> memref<8xi32, #tpu.memory_space<vmem>>
      %dma_wait3A_223 = arith.constant 0 : i32
      %dma_wait3A_224 = arith.constant 0 : i32
      %dma_wait3A_225 = tpu.memref_slice %arg2[%dma_wait3A_223, %dma_wait3A_224] : memref<1024x128xf32, #tpu.memory_space<hbm>> -> memref<1024x128xf32, #tpu.memory_space<hbm>>
      tpu.wait_indirect_dma semaphore(%arg20 : memref<!tpu.dma_semaphore, #tpu.memory_space<semaphore_mem>>) src(%dma_wait3A_225 : memref<1024x128xf32, #tpu.memory_space<hbm>>) dst(%arg12 : memref<8x128xf32, #tpu.memory_space<vmem>>)
      %dma_wait3A_226 = tpu.memref_slice %arg11[%add3A_206] : memref<512xi32, #tpu.memory_space<vmem>> -> memref<8xi32, #tpu.memory_space<vmem>>
      %dma_wait3A_227 = arith.constant 0 : i32
      %dma_wait3A_228 = arith.constant 0 : i32
      %dma_wait3A_229 = tpu.memref_slice %arg2[%dma_wait3A_227, %dma_wait3A_228] : memref<1024x128xf32, #tpu.memory_space<hbm>> -> memref<1024x128xf32, #tpu.memory_space<hbm>>
      tpu.wait_indirect_dma semaphore(%arg20 : memref<!tpu.dma_semaphore, #tpu.memory_space<semaphore_mem>>) src(%dma_wait3A_229 : memref<1024x128xf32, #tpu.memory_space<hbm>>) dst(%arg13 : memref<8x128xf32, #tpu.memory_space<vmem>>)
      %dma_wait3A_230 = tpu.memref_slice %arg11[%add3A_212] : memref<512xi32, #tpu.memory_space<vmem>> -> memref<8xi32, #tpu.memory_space<vmem>>
      %dma_wait3A_231 = arith.constant 0 : i32
      %dma_wait3A_232 = arith.constant 0 : i32
      %dma_wait3A_233 = tpu.memref_slice %arg2[%dma_wait3A_231, %dma_wait3A_232] : memref<1024x128xf32, #tpu.memory_space<hbm>> -> memref<1024x128xf32, #tpu.memory_space<hbm>>
      tpu.wait_indirect_dma semaphore(%arg20 : memref<!tpu.dma_semaphore, #tpu.memory_space<semaphore_mem>>) src(%dma_wait3A_233 : memref<1024x128xf32, #tpu.memory_space<hbm>>) dst(%arg14 : memref<8x128xf32, #tpu.memory_space<vmem>>)
      %dma_wait3A_234 = tpu.memref_slice %arg11[%add3A_218] : memref<512xi32, #tpu.memory_space<vmem>> -> memref<8xi32, #tpu.memory_space<vmem>>
      %dma_wait3A_235 = arith.constant 0 : i32
      %dma_wait3A_236 = arith.constant 0 : i32
      %dma_wait3A_237 = tpu.memref_slice %arg2[%dma_wait3A_235, %dma_wait3A_236] : memref<1024x128xf32, #tpu.memory_space<hbm>> -> memref<1024x128xf32, #tpu.memory_space<hbm>>
      tpu.wait_indirect_dma semaphore(%arg20 : memref<!tpu.dma_semaphore, #tpu.memory_space<semaphore_mem>>) src(%dma_wait3A_237 : memref<1024x128xf32, #tpu.memory_space<hbm>>) dst(%arg15 : memref<8x128xf32, #tpu.memory_space<vmem>>)
      %broadcast_in_dim3A = arith.constant 0.000000e+00 : f32
      %broadcast_in_dim3A_238 = vector.broadcast %broadcast_in_dim3A : f32 to vector<16xf32>
      %parallel_loop3A = arith.constant 0 : i32
      %parallel_loop3A_239 = arith.constant 8 : i32
      %parallel_loop3A_240 = arith.constant 1 : i32
      %parallel_loop3A_241 = scf.for %parallel_loop3A_306 = %parallel_loop3A to %parallel_loop3A_239 step %parallel_loop3A_240 iter_args(%parallel_loop3A_307 = %broadcast_in_dim3A_238) -> (vector<16xf32>)  : i32 {
        %parallel_loop3A_308 = arith.index_cast %parallel_loop3A_306 : i32 to index
        %parallel_loop3A_309 = arith.constant 0 : index
        %parallel_loop3A_310 = tpu.vector_load %arg12[%parallel_loop3A_308, %parallel_loop3A_309] {strides = array<i32>} : memref<8x128xf32, #tpu.memory_space<vmem>>, vector<16xf32>,
        %parallel_loop3A_311 = arith.index_cast %parallel_loop3A_306 : i32 to index
        %parallel_loop3A_312 = arith.constant 0 : index
        %parallel_loop3A_313 = tpu.vector_load %arg13[%parallel_loop3A_311, %parallel_loop3A_312] {strides = array<i32>} : memref<8x128xf32, #tpu.memory_space<vmem>>, vector<16xf32>,
        %parallel_loop3A_314 = arith.subf %parallel_loop3A_310, %parallel_loop3A_313 : vector<16xf32>
        %parallel_loop3A_315 = arith.constant 9.99999997E-7 : f32
        %parallel_loop3A_316 = vector.broadcast %parallel_loop3A_315 : f32 to vector<16xf32>
        %parallel_loop3A_317 = arith.addf %parallel_loop3A_314, %parallel_loop3A_316 : vector<16xf32>
        %parallel_loop3A_318 = arith.mulf %parallel_loop3A_317, %parallel_loop3A_317 : vector<16xf32>
        %parallel_loop3A_319 = arith.addf %parallel_loop3A_307, %parallel_loop3A_318 : vector<16xf32>
        %parallel_loop3A_320 = arith.index_cast %parallel_loop3A_306 : i32 to index
        %parallel_loop3A_321 = arith.constant 16 : index
        %parallel_loop3A_322 = tpu.vector_load %arg12[%parallel_loop3A_320, %parallel_loop3A_321] {strides = array<i32>} : memref<8x128xf32, #tpu.memory_space<vmem>>, vector<16xf32>,
        %parallel_loop3A_323 = arith.index_cast %parallel_loop3A_306 : i32 to index
        %parallel_loop3A_324 = arith.constant 16 : index
        %parallel_loop3A_325 = tpu.vector_load %arg13[%parallel_loop3A_323, %parallel_loop3A_324] {strides = array<i32>} : memref<8x128xf32, #tpu.memory_space<vmem>>, vector<16xf32>,
        %parallel_loop3A_326 = arith.subf %parallel_loop3A_322, %parallel_loop3A_325 : vector<16xf32>
        %parallel_loop3A_327 = arith.constant 9.99999997E-7 : f32
        %parallel_loop3A_328 = vector.broadcast %parallel_loop3A_327 : f32 to vector<16xf32>
        %parallel_loop3A_329 = arith.addf %parallel_loop3A_326, %parallel_loop3A_328 : vector<16xf32>
        %parallel_loop3A_330 = arith.mulf %parallel_loop3A_329, %parallel_loop3A_329 : vector<16xf32>
        %parallel_loop3A_331 = arith.addf %parallel_loop3A_319, %parallel_loop3A_330 : vector<16xf32>
        %parallel_loop3A_332 = arith.index_cast %parallel_loop3A_306 : i32 to index
        %parallel_loop3A_333 = arith.constant 32 : index
        %parallel_loop3A_334 = tpu.vector_load %arg12[%parallel_loop3A_332, %parallel_loop3A_333] {strides = array<i32>} : memref<8x128xf32, #tpu.memory_space<vmem>>, vector<16xf32>,
        %parallel_loop3A_335 = arith.index_cast %parallel_loop3A_306 : i32 to index
        %parallel_loop3A_336 = arith.constant 32 : index
        %parallel_loop3A_337 = tpu.vector_load %arg13[%parallel_loop3A_335, %parallel_loop3A_336] {strides = array<i32>} : memref<8x128xf32, #tpu.memory_space<vmem>>, vector<16xf32>,
        %parallel_loop3A_338 = arith.subf %parallel_loop3A_334, %parallel_loop3A_337 : vector<16xf32>
        %parallel_loop3A_339 = arith.constant 9.99999997E-7 : f32
        %parallel_loop3A_340 = vector.broadcast %parallel_loop3A_339 : f32 to vector<16xf32>
        %parallel_loop3A_341 = arith.addf %parallel_loop3A_338, %parallel_loop3A_340 : vector<16xf32>
        %parallel_loop3A_342 = arith.mulf %parallel_loop3A_341, %parallel_loop3A_341 : vector<16xf32>
        %parallel_loop3A_343 = arith.addf %parallel_loop3A_331, %parallel_loop3A_342 : vector<16xf32>
        %parallel_loop3A_344 = arith.index_cast %parallel_loop3A_306 : i32 to index
        %parallel_loop3A_345 = arith.constant 48 : index
        %parallel_loop3A_346 = tpu.vector_load %arg12[%parallel_loop3A_344, %parallel_loop3A_345] {strides = array<i32>} : memref<8x128xf32, #tpu.memory_space<vmem>>, vector<16xf32>,
        %parallel_loop3A_347 = arith.index_cast %parallel_loop3A_306 : i32 to index
        %parallel_loop3A_348 = arith.constant 48 : index
        %parallel_loop3A_349 = tpu.vector_load %arg13[%parallel_loop3A_347, %parallel_loop3A_348] {strides = array<i32>} : memref<8x128xf32, #tpu.memory_space<vmem>>, vector<16xf32>,
        %parallel_loop3A_350 = arith.subf %parallel_loop3A_346, %parallel_loop3A_349 : vector<16xf32>
        %parallel_loop3A_351 = arith.constant 9.99999997E-7 : f32
        %parallel_loop3A_352 = vector.broadcast %parallel_loop3A_351 : f32 to vector<16xf32>
        %parallel_loop3A_353 = arith.addf %parallel_loop3A_350, %parallel_loop3A_352 : vector<16xf32>
        %parallel_loop3A_354 = arith.mulf %parallel_loop3A_353, %parallel_loop3A_353 : vector<16xf32>
        %parallel_loop3A_355 = arith.addf %parallel_loop3A_343, %parallel_loop3A_354 : vector<16xf32>
        %parallel_loop3A_356 = arith.index_cast %parallel_loop3A_306 : i32 to index
        %parallel_loop3A_357 = arith.constant 64 : index
        %parallel_loop3A_358 = tpu.vector_load %arg12[%parallel_loop3A_356, %parallel_loop3A_357] {strides = array<i32>} : memref<8x128xf32, #tpu.memory_space<vmem>>, vector<16xf32>,
        %parallel_loop3A_359 = arith.index_cast %parallel_loop3A_306 : i32 to index
        %parallel_loop3A_360 = arith.constant 64 : index
        %parallel_loop3A_361 = tpu.vector_load %arg13[%parallel_loop3A_359, %parallel_loop3A_360] {strides = array<i32>} : memref<8x128xf32, #tpu.memory_space<vmem>>, vector<16xf32>,
        %parallel_loop3A_362 = arith.subf %parallel_loop3A_358, %parallel_loop3A_361 : vector<16xf32>
        %parallel_loop3A_363 = arith.constant 9.99999997E-7 : f32
        %parallel_loop3A_364 = vector.broadcast %parallel_loop3A_363 : f32 to vector<16xf32>
        %parallel_loop3A_365 = arith.addf %parallel_loop3A_362, %parallel_loop3A_364 : vector<16xf32>
        %parallel_loop3A_366 = arith.mulf %parallel_loop3A_365, %parallel_loop3A_365 : vector<16xf32>
        %parallel_loop3A_367 = arith.addf %parallel_loop3A_355, %parallel_loop3A_366 : vector<16xf32>
        %parallel_loop3A_368 = arith.index_cast %parallel_loop3A_306 : i32 to index
        %parallel_loop3A_369 = arith.constant 80 : index
        %parallel_loop3A_370 = tpu.vector_load %arg12[%parallel_loop3A_368, %parallel_loop3A_369] {strides = array<i32>} : memref<8x128xf32, #tpu.memory_space<vmem>>, vector<16xf32>,
        %parallel_loop3A_371 = arith.index_cast %parallel_loop3A_306 : i32 to index
        %parallel_loop3A_372 = arith.constant 80 : index
        %parallel_loop3A_373 = tpu.vector_load %arg13[%parallel_loop3A_371, %parallel_loop3A_372] {strides = array<i32>} : memref<8x128xf32, #tpu.memory_space<vmem>>, vector<16xf32>,
        %parallel_loop3A_374 = arith.subf %parallel_loop3A_370, %parallel_loop3A_373 : vector<16xf32>
        %parallel_loop3A_375 = arith.constant 9.99999997E-7 : f32
        %parallel_loop3A_376 = vector.broadcast %parallel_loop3A_375 : f32 to vector<16xf32>
        %parallel_loop3A_377 = arith.addf %parallel_loop3A_374, %parallel_loop3A_376 : vector<16xf32>
        %parallel_loop3A_378 = arith.mulf %parallel_loop3A_377, %parallel_loop3A_377 : vector<16xf32>
        %parallel_loop3A_379 = arith.addf %parallel_loop3A_367, %parallel_loop3A_378 : vector<16xf32>
        %parallel_loop3A_380 = arith.index_cast %parallel_loop3A_306 : i32 to index
        %parallel_loop3A_381 = arith.constant 96 : index
        %parallel_loop3A_382 = tpu.vector_load %arg12[%parallel_loop3A_380, %parallel_loop3A_381] {strides = array<i32>} : memref<8x128xf32, #tpu.memory_space<vmem>>, vector<16xf32>,
        %parallel_loop3A_383 = arith.index_cast %parallel_loop3A_306 : i32 to index
        %parallel_loop3A_384 = arith.constant 96 : index
        %parallel_loop3A_385 = tpu.vector_load %arg13[%parallel_loop3A_383, %parallel_loop3A_384] {strides = array<i32>} : memref<8x128xf32, #tpu.memory_space<vmem>>, vector<16xf32>,
        %parallel_loop3A_386 = arith.subf %parallel_loop3A_382, %parallel_loop3A_385 : vector<16xf32>
        %parallel_loop3A_387 = arith.constant 9.99999997E-7 : f32
        %parallel_loop3A_388 = vector.broadcast %parallel_loop3A_387 : f32 to vector<16xf32>
        %parallel_loop3A_389 = arith.addf %parallel_loop3A_386, %parallel_loop3A_388 : vector<16xf32>
        %parallel_loop3A_390 = arith.mulf %parallel_loop3A_389, %parallel_loop3A_389 : vector<16xf32>
        %parallel_loop3A_391 = arith.addf %parallel_loop3A_379, %parallel_loop3A_390 : vector<16xf32>
        %parallel_loop3A_392 = arith.index_cast %parallel_loop3A_306 : i32 to index
        %parallel_loop3A_393 = arith.constant 112 : index
        %parallel_loop3A_394 = tpu.vector_load %arg12[%parallel_loop3A_392, %parallel_loop3A_393] {strides = array<i32>} : memref<8x128xf32, #tpu.memory_space<vmem>>, vector<16xf32>,
        %parallel_loop3A_395 = arith.index_cast %parallel_loop3A_306 : i32 to index
        %parallel_loop3A_396 = arith.constant 112 : index
        %parallel_loop3A_397 = tpu.vector_load %arg13[%parallel_loop3A_395, %parallel_loop3A_396] {strides = array<i32>} : memref<8x128xf32, #tpu.memory_space<vmem>>, vector<16xf32>,
        %parallel_loop3A_398 = arith.subf %parallel_loop3A_394, %parallel_loop3A_397 : vector<16xf32>
        %parallel_loop3A_399 = arith.constant 9.99999997E-7 : f32
        %parallel_loop3A_400 = vector.broadcast %parallel_loop3A_399 : f32 to vector<16xf32>
        %parallel_loop3A_401 = arith.addf %parallel_loop3A_398, %parallel_loop3A_400 : vector<16xf32>
        %parallel_loop3A_402 = arith.mulf %parallel_loop3A_401, %parallel_loop3A_401 : vector<16xf32>
        %parallel_loop3A_403 = arith.addf %parallel_loop3A_391, %parallel_loop3A_402 : vector<16xf32>
        scf.yield %parallel_loop3A_403 : vector<16xf32>
      } {sc.loop_unroll_factor = 4 : i64, sc.parallel_access}
      %broadcast_in_dim3A_242 = arith.constant 0.000000e+00 : f32
      %broadcast_in_dim3A_243 = vector.broadcast %broadcast_in_dim3A_242 : f32 to vector<16xf32>
      %parallel_loop3A_244 = arith.constant 0 : i32
      %parallel_loop3A_245 = arith.constant 8 : i32
      %parallel_loop3A_246 = arith.constant 1 : i32
      %parallel_loop3A_247 = scf.for %parallel_loop3A_306 = %parallel_loop3A_244 to %parallel_loop3A_245 step %parallel_loop3A_246 iter_args(%parallel_loop3A_307 = %broadcast_in_dim3A_243) -> (vector<16xf32>)  : i32 {
        %parallel_loop3A_308 = arith.constant 0.000000e+00 : f32
        %parallel_loop3A_309 = vector.broadcast %parallel_loop3A_308 : f32 to vector<16xf32>
        %parallel_loop3A_310 = arith.index_cast %parallel_loop3A_306 : i32 to index
        %parallel_loop3A_311 = arith.constant 0 : index
        %parallel_loop3A_312 = tpu.vector_load %arg14[%parallel_loop3A_310, %parallel_loop3A_311] {strides = array<i32>} : memref<8x128xf32, #tpu.memory_space<vmem>>, vector<16xf32>,
        %parallel_loop3A_313 = arith.index_cast %parallel_loop3A_306 : i32 to index
        %parallel_loop3A_314 = arith.constant 0 : index
        %parallel_loop3A_315 = tpu.vector_load %arg15[%parallel_loop3A_313, %parallel_loop3A_314] {strides = array<i32>} : memref<8x128xf32, #tpu.memory_space<vmem>>, vector<16xf32>,
        %parallel_loop3A_316 = arith.subf %parallel_loop3A_312, %parallel_loop3A_315 : vector<16xf32>
        %parallel_loop3A_317 = arith.constant 9.99999997E-7 : f32
        %parallel_loop3A_318 = vector.broadcast %parallel_loop3A_317 : f32 to vector<16xf32>
        %parallel_loop3A_319 = arith.addf %parallel_loop3A_316, %parallel_loop3A_318 : vector<16xf32>
        %parallel_loop3A_320 = arith.mulf %parallel_loop3A_319, %parallel_loop3A_319 : vector<16xf32>
        %parallel_loop3A_321 = arith.addf %parallel_loop3A_309, %parallel_loop3A_320 : vector<16xf32>
        %parallel_loop3A_322 = arith.index_cast %parallel_loop3A_306 : i32 to index
        %parallel_loop3A_323 = arith.constant 16 : index
        %parallel_loop3A_324 = tpu.vector_load %arg14[%parallel_loop3A_322, %parallel_loop3A_323] {strides = array<i32>} : memref<8x128xf32, #tpu.memory_space<vmem>>, vector<16xf32>,
        %parallel_loop3A_325 = arith.index_cast %parallel_loop3A_306 : i32 to index
        %parallel_loop3A_326 = arith.constant 16 : index
        %parallel_loop3A_327 = tpu.vector_load %arg15[%parallel_loop3A_325, %parallel_loop3A_326] {strides = array<i32>} : memref<8x128xf32, #tpu.memory_space<vmem>>, vector<16xf32>,
        %parallel_loop3A_328 = arith.subf %parallel_loop3A_324, %parallel_loop3A_327 : vector<16xf32>
        %parallel_loop3A_329 = arith.constant 9.99999997E-7 : f32
        %parallel_loop3A_330 = vector.broadcast %parallel_loop3A_329 : f32 to vector<16xf32>
        %parallel_loop3A_331 = arith.addf %parallel_loop3A_328, %parallel_loop3A_330 : vector<16xf32>
        %parallel_loop3A_332 = arith.mulf %parallel_loop3A_331, %parallel_loop3A_331 : vector<16xf32>
        %parallel_loop3A_333 = arith.addf %parallel_loop3A_321, %parallel_loop3A_332 : vector<16xf32>
        %parallel_loop3A_334 = arith.index_cast %parallel_loop3A_306 : i32 to index
        %parallel_loop3A_335 = arith.constant 32 : index
        %parallel_loop3A_336 = tpu.vector_load %arg14[%parallel_loop3A_334, %parallel_loop3A_335] {strides = array<i32>} : memref<8x128xf32, #tpu.memory_space<vmem>>, vector<16xf32>,
        %parallel_loop3A_337 = arith.index_cast %parallel_loop3A_306 : i32 to index
        %parallel_loop3A_338 = arith.constant 32 : index
        %parallel_loop3A_339 = tpu.vector_load %arg15[%parallel_loop3A_337, %parallel_loop3A_338] {strides = array<i32>} : memref<8x128xf32, #tpu.memory_space<vmem>>, vector<16xf32>,
        %parallel_loop3A_340 = arith.subf %parallel_loop3A_336, %parallel_loop3A_339 : vector<16xf32>
        %parallel_loop3A_341 = arith.constant 9.99999997E-7 : f32
        %parallel_loop3A_342 = vector.broadcast %parallel_loop3A_341 : f32 to vector<16xf32>
        %parallel_loop3A_343 = arith.addf %parallel_loop3A_340, %parallel_loop3A_342 : vector<16xf32>
        %parallel_loop3A_344 = arith.mulf %parallel_loop3A_343, %parallel_loop3A_343 : vector<16xf32>
        %parallel_loop3A_345 = arith.addf %parallel_loop3A_333, %parallel_loop3A_344 : vector<16xf32>
        %parallel_loop3A_346 = arith.index_cast %parallel_loop3A_306 : i32 to index
        %parallel_loop3A_347 = arith.constant 48 : index
        %parallel_loop3A_348 = tpu.vector_load %arg14[%parallel_loop3A_346, %parallel_loop3A_347] {strides = array<i32>} : memref<8x128xf32, #tpu.memory_space<vmem>>, vector<16xf32>,
        %parallel_loop3A_349 = arith.index_cast %parallel_loop3A_306 : i32 to index
        %parallel_loop3A_350 = arith.constant 48 : index
        %parallel_loop3A_351 = tpu.vector_load %arg15[%parallel_loop3A_349, %parallel_loop3A_350] {strides = array<i32>} : memref<8x128xf32, #tpu.memory_space<vmem>>, vector<16xf32>,
        %parallel_loop3A_352 = arith.subf %parallel_loop3A_348, %parallel_loop3A_351 : vector<16xf32>
        %parallel_loop3A_353 = arith.constant 9.99999997E-7 : f32
        %parallel_loop3A_354 = vector.broadcast %parallel_loop3A_353 : f32 to vector<16xf32>
        %parallel_loop3A_355 = arith.addf %parallel_loop3A_352, %parallel_loop3A_354 : vector<16xf32>
        %parallel_loop3A_356 = arith.mulf %parallel_loop3A_355, %parallel_loop3A_355 : vector<16xf32>
        %parallel_loop3A_357 = arith.addf %parallel_loop3A_345, %parallel_loop3A_356 : vector<16xf32>
        %parallel_loop3A_358 = arith.index_cast %parallel_loop3A_306 : i32 to index
        %parallel_loop3A_359 = arith.constant 64 : index
        %parallel_loop3A_360 = tpu.vector_load %arg14[%parallel_loop3A_358, %parallel_loop3A_359] {strides = array<i32>} : memref<8x128xf32, #tpu.memory_space<vmem>>, vector<16xf32>,
        %parallel_loop3A_361 = arith.index_cast %parallel_loop3A_306 : i32 to index
        %parallel_loop3A_362 = arith.constant 64 : index
        %parallel_loop3A_363 = tpu.vector_load %arg15[%parallel_loop3A_361, %parallel_loop3A_362] {strides = array<i32>} : memref<8x128xf32, #tpu.memory_space<vmem>>, vector<16xf32>,
        %parallel_loop3A_364 = arith.subf %parallel_loop3A_360, %parallel_loop3A_363 : vector<16xf32>
        %parallel_loop3A_365 = arith.constant 9.99999997E-7 : f32
        %parallel_loop3A_366 = vector.broadcast %parallel_loop3A_365 : f32 to vector<16xf32>
        %parallel_loop3A_367 = arith.addf %parallel_loop3A_364, %parallel_loop3A_366 : vector<16xf32>
        %parallel_loop3A_368 = arith.mulf %parallel_loop3A_367, %parallel_loop3A_367 : vector<16xf32>
        %parallel_loop3A_369 = arith.addf %parallel_loop3A_357, %parallel_loop3A_368 : vector<16xf32>
        %parallel_loop3A_370 = arith.index_cast %parallel_loop3A_306 : i32 to index
        %parallel_loop3A_371 = arith.constant 80 : index
        %parallel_loop3A_372 = tpu.vector_load %arg14[%parallel_loop3A_370, %parallel_loop3A_371] {strides = array<i32>} : memref<8x128xf32, #tpu.memory_space<vmem>>, vector<16xf32>,
        %parallel_loop3A_373 = arith.index_cast %parallel_loop3A_306 : i32 to index
        %parallel_loop3A_374 = arith.constant 80 : index
        %parallel_loop3A_375 = tpu.vector_load %arg15[%parallel_loop3A_373, %parallel_loop3A_374] {strides = array<i32>} : memref<8x128xf32, #tpu.memory_space<vmem>>, vector<16xf32>,
        %parallel_loop3A_376 = arith.subf %parallel_loop3A_372, %parallel_loop3A_375 : vector<16xf32>
        %parallel_loop3A_377 = arith.constant 9.99999997E-7 : f32
        %parallel_loop3A_378 = vector.broadcast %parallel_loop3A_377 : f32 to vector<16xf32>
        %parallel_loop3A_379 = arith.addf %parallel_loop3A_376, %parallel_loop3A_378 : vector<16xf32>
        %parallel_loop3A_380 = arith.mulf %parallel_loop3A_379, %parallel_loop3A_379 : vector<16xf32>
        %parallel_loop3A_381 = arith.addf %parallel_loop3A_369, %parallel_loop3A_380 : vector<16xf32>
        %parallel_loop3A_382 = arith.index_cast %parallel_loop3A_306 : i32 to index
        %parallel_loop3A_383 = arith.constant 96 : index
        %parallel_loop3A_384 = tpu.vector_load %arg14[%parallel_loop3A_382, %parallel_loop3A_383] {strides = array<i32>} : memref<8x128xf32, #tpu.memory_space<vmem>>, vector<16xf32>,
        %parallel_loop3A_385 = arith.index_cast %parallel_loop3A_306 : i32 to index
        %parallel_loop3A_386 = arith.constant 96 : index
        %parallel_loop3A_387 = tpu.vector_load %arg15[%parallel_loop3A_385, %parallel_loop3A_386] {strides = array<i32>} : memref<8x128xf32, #tpu.memory_space<vmem>>, vector<16xf32>,
        %parallel_loop3A_388 = arith.subf %parallel_loop3A_384, %parallel_loop3A_387 : vector<16xf32>
        %parallel_loop3A_389 = arith.constant 9.99999997E-7 : f32
        %parallel_loop3A_390 = vector.broadcast %parallel_loop3A_389 : f32 to vector<16xf32>
        %parallel_loop3A_391 = arith.addf %parallel_loop3A_388, %parallel_loop3A_390 : vector<16xf32>
        %parallel_loop3A_392 = arith.mulf %parallel_loop3A_391, %parallel_loop3A_391 : vector<16xf32>
        %parallel_loop3A_393 = arith.addf %parallel_loop3A_381, %parallel_loop3A_392 : vector<16xf32>
        %parallel_loop3A_394 = arith.index_cast %parallel_loop3A_306 : i32 to index
        %parallel_loop3A_395 = arith.constant 112 : index
        %parallel_loop3A_396 = tpu.vector_load %arg14[%parallel_loop3A_394, %parallel_loop3A_395] {strides = array<i32>} : memref<8x128xf32, #tpu.memory_space<vmem>>, vector<16xf32>,
        %parallel_loop3A_397 = arith.index_cast %parallel_loop3A_306 : i32 to index
        %parallel_loop3A_398 = arith.constant 112 : index
        %parallel_loop3A_399 = tpu.vector_load %arg15[%parallel_loop3A_397, %parallel_loop3A_398] {strides = array<i32>} : memref<8x128xf32, #tpu.memory_space<vmem>>, vector<16xf32>,
        %parallel_loop3A_400 = arith.subf %parallel_loop3A_396, %parallel_loop3A_399 : vector<16xf32>
        %parallel_loop3A_401 = arith.constant 9.99999997E-7 : f32
        %parallel_loop3A_402 = vector.broadcast %parallel_loop3A_401 : f32 to vector<16xf32>
        %parallel_loop3A_403 = arith.addf %parallel_loop3A_400, %parallel_loop3A_402 : vector<16xf32>
        %parallel_loop3A_404 = arith.mulf %parallel_loop3A_403, %parallel_loop3A_403 : vector<16xf32>
        %parallel_loop3A_405 = arith.addf %parallel_loop3A_393, %parallel_loop3A_404 : vector<16xf32>
        %parallel_loop3A_406 = vector.broadcast %parallel_loop3A_306 : i32 to vector<16xi32>
        %parallel_loop3A_407 = arith.cmpi eq, %iota3A, %parallel_loop3A_406 : vector<16xi32>
        %parallel_loop3A_408 = arith.constant true
        %parallel_loop3A_409 = vector.broadcast %parallel_loop3A_408 : i1 to vector<16xi1>
        %parallel_loop3A_410 = tpu.scan <sum>, %parallel_loop3A_405 masked %parallel_loop3A_409 : vector<16xf32>, vector<16xi1> -> vector<16xf32>
        %parallel_loop3A_411 = vector.extract %parallel_loop3A_410[15] : f32 from vector<16xf32>
        %parallel_loop3A_412 = vector.broadcast %parallel_loop3A_411 : f32 to vector<16xf32>
        %parallel_loop3A_413 = arith.select %parallel_loop3A_407, %parallel_loop3A_412, %parallel_loop3A_307 : vector<16xi1>, vector<16xf32>
        scf.yield %parallel_loop3A_413 : vector<16xf32>
      } {sc.loop_unroll_factor = 4 : i64, sc.parallel_access}
      %max3A = arith.constant 1.000000e-30 : f32
      %max3A_248 = vector.broadcast %max3A : f32 to vector<16xf32>
      %max3A_249 = arith.maximumf %parallel_loop3A_247, %max3A_248 : vector<16xf32>
      %bitcast3A = vector.bitcast %max3A_249 : vector<16xf32> to vector<16xi32>
      %shift_right_arithmetic3A_250 = arith.constant 1 : i32
      %shift_right_arithmetic3A_251 = vector.broadcast %shift_right_arithmetic3A_250 : i32 to vector<16xi32>
      %shift_right_arithmetic3A_252 = arith.shrsi %bitcast3A, %shift_right_arithmetic3A_251 : vector<16xi32>
      %sub3A = arith.constant 1597463007 : i32
      %sub3A_253 = vector.broadcast %sub3A : i32 to vector<16xi32>
      %sub3A_254 = arith.subi %sub3A_253, %shift_right_arithmetic3A_252 : vector<16xi32>
      %bitcast3A_255 = vector.bitcast %sub3A_254 : vector<16xi32> to vector<16xf32>
      %mul3A_256 = arith.constant 5.000000e-01 : f32
      %mul3A_257 = vector.broadcast %mul3A_256 : f32 to vector<16xf32>
      %mul3A_258 = arith.mulf %mul3A_257, %max3A_249 : vector<16xf32>
      %mul3A_259 = arith.mulf %mul3A_258, %bitcast3A_255 : vector<16xf32>
      %mul3A_260 = arith.mulf %mul3A_259, %bitcast3A_255 : vector<16xf32>
      %sub3A_261 = arith.constant 1.500000e+00 : f32
      %sub3A_262 = vector.broadcast %sub3A_261 : f32 to vector<16xf32>
      %sub3A_263 = arith.subf %sub3A_262, %mul3A_260 : vector<16xf32>
      %mul3A_264 = arith.mulf %bitcast3A_255, %sub3A_263 : vector<16xf32>
      %mul3A_265 = arith.constant 5.000000e-01 : f32
      %mul3A_266 = vector.broadcast %mul3A_265 : f32 to vector<16xf32>
      %mul3A_267 = arith.mulf %mul3A_266, %max3A_249 : vector<16xf32>
      %mul3A_268 = arith.mulf %mul3A_267, %mul3A_264 : vector<16xf32>
      %mul3A_269 = arith.mulf %mul3A_268, %mul3A_264 : vector<16xf32>
      %sub3A_270 = arith.constant 1.500000e+00 : f32
      %sub3A_271 = vector.broadcast %sub3A_270 : f32 to vector<16xf32>
      %sub3A_272 = arith.subf %sub3A_271, %mul3A_269 : vector<16xf32>
      %mul3A_273 = arith.mulf %mul3A_264, %sub3A_272 : vector<16xf32>
      %mul3A_274 = arith.constant 5.000000e-01 : f32
      %mul3A_275 = vector.broadcast %mul3A_274 : f32 to vector<16xf32>
      %mul3A_276 = arith.mulf %mul3A_275, %max3A_249 : vector<16xf32>
      %mul3A_277 = arith.mulf %mul3A_276, %mul3A_273 : vector<16xf32>
      %mul3A_278 = arith.mulf %mul3A_277, %mul3A_273 : vector<16xf32>
      %sub3A_279 = arith.constant 1.500000e+00 : f32
      %sub3A_280 = vector.broadcast %sub3A_279 : f32 to vector<16xf32>
      %sub3A_281 = arith.subf %sub3A_280, %mul3A_278 : vector<16xf32>
      %mul3A_282 = arith.mulf %mul3A_273, %sub3A_281 : vector<16xf32>
      %mul3A_283 = arith.constant 5.000000e-01 : f32
      %mul3A_284 = vector.broadcast %mul3A_283 : f32 to vector<16xf32>
      %mul3A_285 = arith.mulf %mul3A_284, %max3A_249 : vector<16xf32>
      %mul3A_286 = arith.mulf %mul3A_285, %mul3A_282 : vector<16xf32>
      %mul3A_287 = arith.mulf %mul3A_286, %mul3A_282 : vector<16xf32>
      %sub3A_288 = arith.constant 1.500000e+00 : f32
      %sub3A_289 = vector.broadcast %sub3A_288 : f32 to vector<16xf32>
      %sub3A_290 = arith.subf %sub3A_289, %mul3A_287 : vector<16xf32>
      %mul3A_291 = arith.mulf %mul3A_282, %sub3A_290 : vector<16xf32>
      %mul3A_292 = arith.mulf %parallel_loop3A_247, %mul3A_291 : vector<16xf32>
      %sub3A_293 = arith.constant 2.000000e+00 : f32
      %sub3A_294 = vector.broadcast %sub3A_293 : f32 to vector<16xf32>
      %sub3A_295 = arith.subf %sub3A_294, %mul3A_292 : vector<16xf32>
      %max3A_296 = arith.constant 0.000000e+00 : f32
      %max3A_297 = vector.broadcast %max3A_296 : f32 to vector<16xf32>
      %max3A_298 = arith.maximumf %sub3A_295, %max3A_297 : vector<16xf32>
      %lt3A = arith.constant 8 : i32
      %lt3A_299 = vector.broadcast %lt3A : i32 to vector<16xi32>
      %lt3A_300 = arith.cmpi slt, %iota3A, %lt3A_299 : vector<16xi32>
      %mul3A_301 = arith.mulf %max3A_298, %max3A_298 : vector<16xf32>
      %jit3A = arith.constant 0.000000e+00 : f32
      %broadcast_in_dim3A_302 = vector.broadcast %jit3A : f32 to vector<16xf32>
      %select_n3A = arith.select %lt3A_300, %mul3A_301, %broadcast_in_dim3A_302 : vector<16xi1>, vector<16xf32>
      %add3A_303 = arith.addf %parallel_loop3A_241, %select_n3A : vector<16xf32>
      %swap3A_304 = arith.constant 0 : index
      %swap3A_305 = tpu.vector_load %arg16[%swap3A_304] {strides = array<i32>} : memref<16xf32, #tpu.memory_space<vmem>>, vector<16xf32>,
      tpu.vector_store %arg16[%swap3A_304], %add3A_303 {strides = array<i32>} : memref<16xf32, #tpu.memory_space<vmem>>, vector<16xf32>,
      "tpu.region"() ({
        %run_scoped3A = tpu.sem_alloc : memref<!tpu.dma_semaphore, #tpu.memory_space<semaphore_mem>>
        %dma_start3A_306 = arith.constant 0 : i32
        %dma_start3A_307 = tpu.memref_slice %arg9[%arg1, %dma_start3A_306] : memref<16x16xf32, #tpu.memory_space<vmem_shared>> -> memref<1x16xf32, #tpu.memory_space<vmem_shared>>
        %dma_start3A_308 = tpu.memref_squeeze %dma_start3A_307 : memref<1x16xf32, #tpu.memory_space<vmem_shared>> -> memref<16xf32, #tpu.memory_space<vmem_shared>>
        %dma_start3A_309 = arith.constant 0 : i32
        %dma_start3A_310 = tpu.memref_slice %arg9[%arg1, %dma_start3A_309] : memref<16x16xf32, #tpu.memory_space<vmem_shared>> -> memref<1x16xf32, #tpu.memory_space<vmem_shared>>
        %dma_start3A_311 = tpu.memref_squeeze %dma_start3A_310 : memref<1x16xf32, #tpu.memory_space<vmem_shared>> -> memref<16xf32, #tpu.memory_space<vmem_shared>>
        tpu.enqueue_dma source(%arg16 : memref<16xf32, #tpu.memory_space<vmem>>) target(%dma_start3A_311 : memref<16xf32, #tpu.memory_space<vmem_shared>>) target_semaphore(%run_scoped3A : memref<!tpu.dma_semaphore, #tpu.memory_space<semaphore_mem>>)
        %dma_wait3A_312 = arith.constant 0 : i32
        %dma_wait3A_313 = tpu.memref_slice %arg9[%arg1, %dma_wait3A_312] : memref<16x16xf32, #tpu.memory_space<vmem_shared>> -> memref<1x16xf32, #tpu.memory_space<vmem_shared>>
        %dma_wait3A_314 = tpu.memref_squeeze %dma_wait3A_313 : memref<1x16xf32, #tpu.memory_space<vmem_shared>> -> memref<16xf32, #tpu.memory_space<vmem_shared>>
        %dma_wait3A_315 = arith.constant 0 : i32
        %dma_wait3A_316 = tpu.memref_slice %arg9[%arg1, %dma_wait3A_315] : memref<16x16xf32, #tpu.memory_space<vmem_shared>> -> memref<1x16xf32, #tpu.memory_space<vmem_shared>>
        %dma_wait3A_317 = tpu.memref_squeeze %dma_wait3A_316 : memref<1x16xf32, #tpu.memory_space<vmem_shared>> -> memref<16xf32, #tpu.memory_space<vmem_shared>>
        tpu.wait_dma2 semaphore(%run_scoped3A : memref<!tpu.dma_semaphore, #tpu.memory_space<semaphore_mem>>) src(%arg16 : memref<16xf32, #tpu.memory_space<vmem>>) dst(%dma_wait3A_317 : memref<16xf32, #tpu.memory_space<vmem_shared>>)
        tpu.yield
      }) : () -> ()
    } else {
    }
    %barrier3A_9 = arith.constant 0 : index
    tpu.barrier barrier_id(%barrier3A_9)
    %convert_element_type3A_10 = arith.extui %and3A : i1 to i32
    %cond3A_11 = arith.constant 0 : i32
    %cond3A_12 = arith.cmpi ne, %convert_element_type3A_10, %cond3A_11 : i32
    scf.if %cond3A_12 {
      "tpu.region"() ({
        %run_scoped3A = tpu.sem_alloc : memref<!tpu.dma_semaphore, #tpu.memory_space<semaphore_mem>>
        tpu.enqueue_dma source(%arg9 : memref<16x16xf32, #tpu.memory_space<vmem_shared>>) target(%arg17 : memref<16x16xf32, #tpu.memory_space<vmem>>) target_semaphore(%run_scoped3A : memref<!tpu.dma_semaphore, #tpu.memory_space<semaphore_mem>>)
        tpu.wait_dma2 semaphore(%run_scoped3A : memref<!tpu.dma_semaphore, #tpu.memory_space<semaphore_mem>>) src(%arg9 : memref<16x16xf32, #tpu.memory_space<vmem_shared>>) dst(%arg17 : memref<16x16xf32, #tpu.memory_space<vmem>>)
        tpu.yield
      }) : () -> ()
      %broadcast_in_dim3A = arith.constant 0.000000e+00 : f32
      %broadcast_in_dim3A_13 = vector.broadcast %broadcast_in_dim3A : f32 to vector<16xf32>
      %get3A = arith.constant 0 : i32
      %get3A_14 = arith.index_cast %get3A : i32 to index
      %get3A_15 = arith.constant 0 : index
      %get3A_16 = tpu.vector_load %arg17[%get3A_14, %get3A_15] {strides = array<i32>} : memref<16x16xf32, #tpu.memory_space<vmem>>, vector<16xf32>,
      %add3A = arith.addf %broadcast_in_dim3A_13, %get3A_16 : vector<16xf32>
      %get3A_17 = arith.constant 1 : i32
      %get3A_18 = arith.index_cast %get3A_17 : i32 to index
      %get3A_19 = arith.constant 0 : index
      %get3A_20 = tpu.vector_load %arg17[%get3A_18, %get3A_19] {strides = array<i32>} : memref<16x16xf32, #tpu.memory_space<vmem>>, vector<16xf32>,
      %add3A_21 = arith.addf %add3A, %get3A_20 : vector<16xf32>
      %get3A_22 = arith.constant 2 : i32
      %get3A_23 = arith.index_cast %get3A_22 : i32 to index
      %get3A_24 = arith.constant 0 : index
      %get3A_25 = tpu.vector_load %arg17[%get3A_23, %get3A_24] {strides = array<i32>} : memref<16x16xf32, #tpu.memory_space<vmem>>, vector<16xf32>,
      %add3A_26 = arith.addf %add3A_21, %get3A_25 : vector<16xf32>
      %get3A_27 = arith.constant 3 : i32
      %get3A_28 = arith.index_cast %get3A_27 : i32 to index
      %get3A_29 = arith.constant 0 : index
      %get3A_30 = tpu.vector_load %arg17[%get3A_28, %get3A_29] {strides = array<i32>} : memref<16x16xf32, #tpu.memory_space<vmem>>, vector<16xf32>,
      %add3A_31 = arith.addf %add3A_26, %get3A_30 : vector<16xf32>
      %get3A_32 = arith.constant 4 : i32
      %get3A_33 = arith.index_cast %get3A_32 : i32 to index
      %get3A_34 = arith.constant 0 : index
      %get3A_35 = tpu.vector_load %arg17[%get3A_33, %get3A_34] {strides = array<i32>} : memref<16x16xf32, #tpu.memory_space<vmem>>, vector<16xf32>,
      %add3A_36 = arith.addf %add3A_31, %get3A_35 : vector<16xf32>
      %get3A_37 = arith.constant 5 : i32
      %get3A_38 = arith.index_cast %get3A_37 : i32 to index
      %get3A_39 = arith.constant 0 : index
      %get3A_40 = tpu.vector_load %arg17[%get3A_38, %get3A_39] {strides = array<i32>} : memref<16x16xf32, #tpu.memory_space<vmem>>, vector<16xf32>,
      %add3A_41 = arith.addf %add3A_36, %get3A_40 : vector<16xf32>
      %get3A_42 = arith.constant 6 : i32
      %get3A_43 = arith.index_cast %get3A_42 : i32 to index
      %get3A_44 = arith.constant 0 : index
      %get3A_45 = tpu.vector_load %arg17[%get3A_43, %get3A_44] {strides = array<i32>} : memref<16x16xf32, #tpu.memory_space<vmem>>, vector<16xf32>,
      %add3A_46 = arith.addf %add3A_41, %get3A_45 : vector<16xf32>
      %get3A_47 = arith.constant 7 : i32
      %get3A_48 = arith.index_cast %get3A_47 : i32 to index
      %get3A_49 = arith.constant 0 : index
      %get3A_50 = tpu.vector_load %arg17[%get3A_48, %get3A_49] {strides = array<i32>} : memref<16x16xf32, #tpu.memory_space<vmem>>, vector<16xf32>,
      %add3A_51 = arith.addf %add3A_46, %get3A_50 : vector<16xf32>
      %get3A_52 = arith.constant 8 : i32
      %get3A_53 = arith.index_cast %get3A_52 : i32 to index
      %get3A_54 = arith.constant 0 : index
      %get3A_55 = tpu.vector_load %arg17[%get3A_53, %get3A_54] {strides = array<i32>} : memref<16x16xf32, #tpu.memory_space<vmem>>, vector<16xf32>,
      %add3A_56 = arith.addf %add3A_51, %get3A_55 : vector<16xf32>
      %get3A_57 = arith.constant 9 : i32
      %get3A_58 = arith.index_cast %get3A_57 : i32 to index
      %get3A_59 = arith.constant 0 : index
      %get3A_60 = tpu.vector_load %arg17[%get3A_58, %get3A_59] {strides = array<i32>} : memref<16x16xf32, #tpu.memory_space<vmem>>, vector<16xf32>,
      %add3A_61 = arith.addf %add3A_56, %get3A_60 : vector<16xf32>
      %get3A_62 = arith.constant 10 : i32
      %get3A_63 = arith.index_cast %get3A_62 : i32 to index
      %get3A_64 = arith.constant 0 : index
      %get3A_65 = tpu.vector_load %arg17[%get3A_63, %get3A_64] {strides = array<i32>} : memref<16x16xf32, #tpu.memory_space<vmem>>, vector<16xf32>,
      %add3A_66 = arith.addf %add3A_61, %get3A_65 : vector<16xf32>
      %get3A_67 = arith.constant 11 : i32
      %get3A_68 = arith.index_cast %get3A_67 : i32 to index
      %get3A_69 = arith.constant 0 : index
      %get3A_70 = tpu.vector_load %arg17[%get3A_68, %get3A_69] {strides = array<i32>} : memref<16x16xf32, #tpu.memory_space<vmem>>, vector<16xf32>,
      %add3A_71 = arith.addf %add3A_66, %get3A_70 : vector<16xf32>
      %get3A_72 = arith.constant 12 : i32
      %get3A_73 = arith.index_cast %get3A_72 : i32 to index
      %get3A_74 = arith.constant 0 : index
      %get3A_75 = tpu.vector_load %arg17[%get3A_73, %get3A_74] {strides = array<i32>} : memref<16x16xf32, #tpu.memory_space<vmem>>, vector<16xf32>,
      %add3A_76 = arith.addf %add3A_71, %get3A_75 : vector<16xf32>
      %get3A_77 = arith.constant 13 : i32
      %get3A_78 = arith.index_cast %get3A_77 : i32 to index
      %get3A_79 = arith.constant 0 : index
      %get3A_80 = tpu.vector_load %arg17[%get3A_78, %get3A_79] {strides = array<i32>} : memref<16x16xf32, #tpu.memory_space<vmem>>, vector<16xf32>,
      %add3A_81 = arith.addf %add3A_76, %get3A_80 : vector<16xf32>
      %get3A_82 = arith.constant 14 : i32
      %get3A_83 = arith.index_cast %get3A_82 : i32 to index
      %get3A_84 = arith.constant 0 : index
      %get3A_85 = tpu.vector_load %arg17[%get3A_83, %get3A_84] {strides = array<i32>} : memref<16x16xf32, #tpu.memory_space<vmem>>, vector<16xf32>,
      %add3A_86 = arith.addf %add3A_81, %get3A_85 : vector<16xf32>
      %get3A_87 = arith.constant 15 : i32
      %get3A_88 = arith.index_cast %get3A_87 : i32 to index
      %get3A_89 = arith.constant 0 : index
      %get3A_90 = tpu.vector_load %arg17[%get3A_88, %get3A_89] {strides = array<i32>} : memref<16x16xf32, #tpu.memory_space<vmem>>, vector<16xf32>,
      %add3A_91 = arith.addf %add3A_86, %get3A_90 : vector<16xf32>
      %reduce_sum3A = arith.constant true
      %reduce_sum3A_92 = vector.broadcast %reduce_sum3A : i1 to vector<16xi1>
      %reduce_sum3A_93 = tpu.scan <sum>, %add3A_91 masked %reduce_sum3A_92 : vector<16xf32>, vector<16xi1> -> vector<16xf32>
      %reduce_sum3A_94 = vector.extract %reduce_sum3A_93[15] : f32 from vector<16xf32>
      %eq3A_95 = arith.constant 0 : i32
      %eq3A_96 = vector.broadcast %eq3A_95 : i32 to vector<16xi32>
      %eq3A_97 = arith.cmpi eq, %iota3A, %eq3A_96 : vector<16xi32>
      %mul3A = arith.constant 3.906250e-03 : f32
      %mul3A_98 = arith.mulf %reduce_sum3A_94, %mul3A : f32
      %broadcast_in_dim3A_99 = vector.broadcast %reduce_sum3A_94 : f32 to vector<16xf32>
      %broadcast_in_dim3A_100 = vector.broadcast %mul3A_98 : f32 to vector<16xf32>
      %select_n3A = arith.select %eq3A_97, %broadcast_in_dim3A_99, %broadcast_in_dim3A_100 : vector<16xi1>, vector<16xf32>
      %swap3A = arith.constant 0 : index
      %swap3A_101 = tpu.vector_load %arg18[%swap3A] {strides = array<i32>} : memref<16xf32, #tpu.memory_space<vmem>>, vector<16xf32>,
      tpu.vector_store %arg18[%swap3A], %select_n3A {strides = array<i32>} : memref<16xf32, #tpu.memory_space<vmem>>, vector<16xf32>,
      "tpu.region"() ({
        %run_scoped3A = tpu.sem_alloc : memref<!tpu.dma_semaphore, #tpu.memory_space<semaphore_mem>>
        tpu.enqueue_dma source(%arg18 : memref<16xf32, #tpu.memory_space<vmem>>) target(%arg4 : memref<16xf32, #tpu.memory_space<hbm>>) target_semaphore(%run_scoped3A : memref<!tpu.dma_semaphore, #tpu.memory_space<semaphore_mem>>)
        tpu.wait_dma2 semaphore(%run_scoped3A : memref<!tpu.dma_semaphore, #tpu.memory_space<semaphore_mem>>) src(%arg18 : memref<16xf32, #tpu.memory_space<vmem>>) dst(%arg4 : memref<16xf32, #tpu.memory_space<hbm>>)
        tpu.yield
      }) : () -> ()
    } else {
    }
    return
  }
}

</mosaic_0001>

<sc_bundles>
// kernel: kernel.3.cloned.1.call-start
scs
__scs_entry_jumppad:
0x0: {  	(pc) =	sbr.rel $0x88, $3  }
0x1: {  	(tag) =	ssettag $0x0;
	lr =	simm.s32 $0x1  }
0x2: {  	[smem:$0x3F9F] =	sst lr;
	_ =	strace $0xD0000000  }
0x3: {  	_ = 	snop  }
0x4: {  	_ = 	snop  }
0x5: {  	_ = 	snop  }
0x6: {  	_ = 	snop  }
0x7: {  	_ = 	snop  }
__scs_overlays_trampoline_lowered:
0x8: {  	[smem:$0x3FAE] =	sst s0  }
0x9: {  	[smem:$0x3FAF] =	sst s1  }
0xa: {  	[smem:$0x3FB0] =	sst s2  }
0xb: {  	[smem:$0x3FB1] =	sst s3  }
0xc: {  	[smem:$0x3FB2] =	sst s4  }
0xd: {  	[smem:$0x3FB3] =	sst s5  }
0xe: {  	[smem:$0x3FB4] =	sst s6  }
0xf: {  	[smem:$0x3FB5] =	sst s7  }
0x10: {  	[smem:$0x3FB6] =	sst s8  }
0x11: {  	[smem:$0x3FB7] =	sst s9;
	s0 =	simm.s32 @!p0 $0x0  }
0x12: {  	s1 =	sld [smem:$0x3F9D];
	s0 =	simm.s32 @p0 $0x1  }
0x13: {  	[smem:$0x3FB8] =	sst s0;
	s0 =	simm.s32 @!p1 $0x0  }
0x14: {  	s2 =	sld [smem:$0x3F9C];
	s0 =	simm.s32 @p1 $0x1  }
0x15: {  	[smem:$0x3FB9] =	sst s0;
	s0 =	simm.s32 @!p2 $0x0  }
0x16: {  	s3 =	sld [smem:$0x3FDB];
	s0 =	simm.s32 @p2 $0x1  }
0x17: {  	s4 =	simm.s32 $0x1BF5;
	[smem:$0x3FBB] =	sst s0  }
0x18: {  	s0 =	sld [smem:$0x3F9E];
	_ =	swait.ge [sflag:s4], $0x0  }
0x19: {  	s7 =	sld [smem:$0x3F9F]  }
0x1a: {  	s8 =	sadd.s32 $0xFFFFE003, lr  }
0x1b: {  	s9 =	sadd.s32 $0xFFFFFEF7, lr;
	s5 =	simm.s32 $0xFFFFFFFF;
	p2 =	slt.u32 s8, $0xFFFFF086  }
0x1c: {  	p1 =	slt.u32 s9, $0xF7A;
	s5 =	simm.s32 @!p2 $0x0  }
0x1d: {  	s5 =	simm.s32 @p1 $0x1;
	p0 =	seq.s32 s7, s2  }
0x1e: {  	s7 =	smul.u32 @!p0 $0xF7A, s2;
	p2 =	seq.s32 @!p0 s5, $0x0  }
0x1f: {  	s9 =	smul.u32 $0xF7A, s1;
	s8 =	simm.s32 @!p0 $0x1BF5;
	p2 =	por !p2, p0  }
0x20: {  	[sflag:s8] =	ssyncset.s32 @!p0 $0xFFFFF086;
	s6 =	sadd.s32 @!p0 s3, s7;
	s7 =	simm.s32 @!p0 $0x108  }
0x21: {  	s3 =	sadd.s32 s3, s9;
	s6 =	sadd.s32 @!p0 $0x88, s6;
	s7 =	simm.s32 @p2 $0x1082  }
0x22: {  	[simem:s7], [sflag:s8] =	dma.local @!p0 [hbm:s6], $0xF7A  }
0x23: {  	s9 =	sor.u32 $0xD0000000, s2;
	s6 =	simm.s32 $0x108;
	_ =	swait.ge @!p0 [sflag:s8], $0x0  }
0x24: {  	s3 =	sadd.s32 $0x88, s3;
	s6 =	simm.s32 @!p1 $0x1082;
	[sflag:s4] =	ssyncset.s32 $0xFFFFF086  }
0x25: {  	[simem:s6], [sflag:s4] =	dma.local [hbm:s3], $0xF7A  }
0x26: {  	[smem:$0x3F9F] =	sst s1;
	(tag) =	ssettag s2;
	_ =	strace s9  }
0x27: {  	s1 =	sld [smem:$0x3FAF]  }
0x28: {  	s2 =	sld [smem:$0x3FB0]  }
0x29: {  	s4 =	sld [smem:$0x3FB2]  }
0x2a: {  	p0 =	seq.s32 s5, $0x0;
	s5 =	sld [smem:$0x3FB3]  }
0x2b: {  	s6 =	sld [smem:$0x3FB4]  }
0x2c: {  	s7 =	sld [smem:$0x3FB5]  }
0x2d: {  	s3 =	simm.s32 $0x108;
	s8 =	sld [smem:$0x3FB6]  }
0x2e: {  	s3 =	simm.s32 @!p0 $0x1082;
	s9 =	sld [smem:$0x3FB7]  }
0x2f: {  	lr =	sadd.s32 s0, s3;
	s0 =	sld [smem:$0x3FAE]  }
0x30: {  	s3 =	sld [smem:$0x3FB1]  }
0x31: {  	[smem:$0x3FBA] =	sst s10  }
0x32: {  	s10 =	sld [smem:$0x3FB8];
	_ =	sdelay $0x3  }
0x33: {  	p0 =	seq.s32 s10, $0x1;
	s10 =	sld [smem:$0x3FBA];
	_ =	sdelay $0x3  }
0x34: {  	[smem:$0x3FBA] =	sst s10  }
0x35: {  	s10 =	sld [smem:$0x3FB9];
	_ =	sdelay $0x3  }
0x36: {  	p1 =	seq.s32 s10, $0x1;
	s10 =	sld [smem:$0x3FBA];
	_ =	sdelay $0x3  }
0x37: {  	[smem:$0x3FBA] =	sst s10  }
0x38: {  	s10 =	sld [smem:$0x3FBB]  }
0x39: {  	_ = 	snop;
	(pc) =	sbr.ind lr, $3  }
0x3a: {  	_ = 	snop  }
0x3b: {  	_ = 	snop  }
0x3c: {  	p2 =	seq.s32 s10, $0x1;
	s10 =	sld [smem:$0x3FBA]  }
0x3d: {  	_ =	shalt  }
0x3e: {  	_ =	shalt  }
0x3f: {  	_ =	shalt  }
0x40: {  	_ =	shalt  }
0x41: {  	_ =	shalt  }
0x42: {  	_ =	shalt  }
0x43: {  	_ =	shalt  }
0x44: {  	_ =	shalt  }
0x45: {  	_ =	shalt  }
0x46: {  	_ =	shalt  }
0x47: {  	_ =	shalt  }
0x48: {  	_ =	shalt  }
0x49: {  	_ =	shalt  }
0x4a: {  	_ =	shalt  }
0x4b: {  	_ =	shalt  }
0x4c: {  	_ =	shalt  }
0x4d: {  	_ =	shalt  }
0x4e: {  	_ =	shalt  }
0x4f: {  	_ =	shalt  }
0x50: {  	_ =	shalt  }
0x51: {  	_ =	shalt  }
0x52: {  	_ =	shalt  }
0x53: {  	_ =	shalt  }
0x54: {  	_ =	shalt  }
0x55: {  	_ =	shalt  }
0x56: {  	_ =	shalt  }
0x57: {  	_ =	shalt  }
0x58: {  	_ =	shalt  }
0x59: {  	_ =	shalt  }
0x5a: {  	_ =	shalt  }
0x5b: {  	_ =	shalt  }
0x5c: {  	_ =	shalt  }
0x5d: {  	_ =	shalt  }
0x5e: {  	_ =	shalt  }
0x5f: {  	_ =	shalt  }
0x60: {  	_ =	shalt  }
0x61: {  	_ =	shalt  }
0x62: {  	_ =	shalt  }
0x63: {  	_ =	shalt  }
0x64: {  	_ =	shalt  }
0x65: {  	_ =	shalt  }
0x66: {  	_ =	shalt  }
0x67: {  	_ =	shalt  }
0x68: {  	_ =	shalt  }
0x69: {  	_ =	shalt  }
0x6a: {  	_ =	shalt  }
0x6b: {  	_ =	shalt  }
0x6c: {  	_ =	shalt  }
0x6d: {  	_ =	shalt  }
0x6e: {  	_ =	shalt  }
0x6f: {  	_ =	shalt  }
0x70: {  	_ =	shalt  }
0x71: {  	_ =	shalt  }
0x72: {  	_ =	shalt  }
0x73: {  	_ =	shalt  }
0x74: {  	_ =	shalt  }
0x75: {  	_ =	shalt  }
0x76: {  	_ =	shalt  }
0x77: {  	_ =	shalt  }
0x78: {  	_ =	shalt  }
0x79: {  	_ =	shalt  }
0x7a: {  	_ =	shalt  }
0x7b: {  	_ =	shalt  }
0x7c: {  	_ =	shalt  }
0x7d: {  	_ =	shalt  }
0x7e: {  	_ =	shalt  }
0x7f: {  	_ =	shalt  }
0x80: {  	_ =	shalt  }
0x81: {  	_ =	shalt  }
0x82: {  	_ =	shalt  }
0x83: {  	_ =	shalt  }
0x84: {  	_ =	shalt  }
0x85: {  	_ =	shalt  }
0x86: {  	_ =	shalt  }
0x87: {  	_ =	shalt  }
.Lfunc_end0:
.L_simem_size_0:
called_computation_lowered:
.L_overlay_start_0:
0x88: {  	s2 =	sld [smem:$0x3FD9]  }
0x89: {  	s3 =	sld [smem:$0x3FFE];
	_ =	sdelay $0x1  }
0x8a: {  	s1 =	srdreg.scid  }
0x8b: {  	s0 =	sand.u32 $0x1, s1  }
0x8c: {  	s15 =	sshll.u32 s0, $0xA;
	s2 =	sadd.s32 s3, s2  }
0x8d: {  	s2 =	sadd.s32 s2, s15  }
0x8e: {  	[smem:$0x3FC6] =	sst s2  }
0x8f: {  	_ = 	snop  }
0x90: {  	s2 =	sld [smem:$0x3FD0];
	_ =	sdelay $0x1  }
0x91: {  	s16 =	sld [smem:$0x3FC9]  }
0x92: {  	s5 =	simm.s32 $0xA;
	s6 =	simm.s32 $0x10;
	s4 =	sld [smem:$0x3FC8]  }
0x93: {  	[smem:s6], [sflag:s5] =	dma.local [hbm:s2], $0x1  }
0x94: {  	_ =	swait.eq [sflag:s5], $0x1  }
0x95: {  	[sflag:s5] =	ssyncset.done $0x0  }
0x96: {  	[sflag:s5] =	ssyncadd.s32 $0xFFFFFFFF  }
0x97: {  	s17 =	sld [smem:$0x12];
	(tm) =	ssettm $0x1  }
0x98: {  	s18 =	sld [smem:$0x3FFB];
	_ =	sdelay $0x3  }
0x99: {  	_ =	strace s18  }
0x9a: {  	s5 =	sld [smem:$0x3FFC];
	_ =	sdelay $0x3  }
0x9b: {  	_ =	strace s5  }
0x9c: {  	s5 =	sld [smem:$0x3FFD];
	_ =	sdelay $0x3  }
0x9d: {  	_ =	strace s5  }
0x9e: {  	_ =	strace $0x8FFFFFFF  }
0x9f: {  	s19 =	sld [smem:$0x3FDB];
	_ =	sdelay $0x1  }
0xa0: {  	s20 =	simm.s32 $_scs_section_size  }
0xa1: {  	s7 =	simm.s32 $_size__tile_overlayer_lowered;
	s8 =	simm.s32 $_tile_overlayer_lowered  }
0xa2: {  	s23 =	simm.s32 $0x1BFF;
	s22 =	sshll.u32 s8, $0x1;
	s5 =	sadd.s32 s20, s19  }
0xa3: {  	s9 =	simm.s32 $0x0;
	s21 =	sshll.u32 s7, $0x1;
	s7 =	sadd.s32 s22, s5  }
0xa4: {  	[timem:s9], [sflag:s23] =	dma.local [hbm:s7], s21  }
0xa5: {  	_ =	swait.ge [sflag:s23], s21  }
0xa6: {  	s6 =	ssub.s32 $0x0, s21;
	[sflag:s23] =	ssyncset.done $0x0  }
0xa7: {  	[sflag:s23] =	ssyncadd.s32 s6;
	_ =	sdelay $0x1  }
0xa8: {  	s24 =	simm.s32 $0x1B8B  }
0xa9: {  	_ =	swait.ge [sflag:s24], $0x1  }
0xaa: {  	[sflag:s24] =	ssyncset.done $0x0  }
0xab: {  	s25 =	simm.s32 $0x1B8E;
	[sflag:s24] =	ssyncadd.s32 $0xFFFFFFFF  }
0xac: {  	s26 =	simm.s32 $execute0_lowered;
	[smem:$0x3FD2] =	sst s25  }
0xad: {  	s6 =	sshll.u32 s26, $0x1;
	_ =	strace $0x80000046;
	[dreg:$0x1] =	wrdreg $0xFFFFFFFF  }
0xae: {  	s28 =	simm.s32 $_size_execute0_lowered;
	s5 =	sadd.s32 s5, s6;
	[dreg:$0x0] =	wrdreg $0x0  }
0xaf: {  	s6 =	sshll.u32 s28, $0x1;
	[dreg:$0x2] =	wrdreg s5  }
0xb0: {  	[dreg:$0x3] =	wrdreg s6  }
0xb1: {  	[dreg:$0x4] =	wrdreg $0xC0  }
0xb2: {  	_ =	task [dreg:s9], $0x5FFFF  }
0xb3: {  	[dreg:$0x1] =	wrdreg $0xFFFFFFFF  }
0xb4: {  	[dreg:$0x0] =	wrdreg $0x60  }
0xb5: {  	[dreg:$0x2] =	wrdreg s16  }
0xb6: {  	[dreg:$0x3] =	wrdreg s4  }
0xb7: {  	[dreg:$0x4] =	wrdreg s17  }
0xb8: {  	[dreg:$0x5] =	wrdreg $0xE100  }
0xb9: {  	[dreg:$0x6] =	wrdreg $0xE000  }
0xba: {  	[dreg:$0x7] =	wrdreg $0x9  }
0xbb: {  	_ =	task.clear_ibuf [dreg:s9], $0x8FFFF;
	_ =	strace $0x90000046  }
0xbc: {  	s29 =	simm.s32 $0x9;
	_ =	strace $0x80000048  }
0xbd: {  	_ =	swait.ge [sflag:s29], $0x1  }
0xbe: {  	[sflag:s29] =	ssyncadd.s32 $0xFFFFFFFF  }
0xbf: {  	_ =	strace $0x90000048  }
0xc0: {  	_ =	sfence  }
0xc1: {  	s30 =	sld [smem:$0x0];
	_ =	sdelay $0x2  }
0xc2: {  	s31 =	sshll.u32 s1, $0xD;
	s1 =	sshrl.u32 s1, $0x2  }
0xc3: {  	s3 =	sand.u32 $0x4000, s31;
	s1 =	sadd.s32 s1, s30  }
0xc4: {  	s0 =	sor.u32 s3, s0;
	s1 =	sshll.u32 s1, $0x11  }
0xc5: {  	s0 =	sor.u32 s1, s0  }
0xc6: {  	s0 =	sadd.s32 $0x8F2B, s0  }
0xc7: {  	[sflag:s0] =	ssyncadd.remote.s32 $0x1  }
0xc8: {  	_ =	sfence.sel $0xFFFF  }
0xc9: {  	[dreg:$0x0] =	wrdreg $0xFFFFFFFF;
	(pc) =	sbr.abs _section_cstart, $3  }
0xca: {  	[dreg:$0x1] =	wrdreg $0xFFFFFFFF  }
0xcb: {  	_ =	task.clear_ibuf [dreg:s9], $0x2FFFF;
	_ =	strace $0x9FFFFFFF  }
0xcc: {  	(tm) =	ssettm $0x7FFFFFFF  }
0xcd: {  	_ =	shalt  }
tec
execute0_lowered:
.L_overlay_start_1:
0x0: {  	(tag) =	ssettag $0x1  }
0x1: {  	s7 =	rddreg [dreg:$0x2]  }
0x2: {  	s1 =	srdreg.scid;
	s8 =	rddreg [dreg:$0x3]  }
0x3: {  	s9 =	rddreg [dreg:$0x4];
	s0 =	stileid.u32;
	_ =	strace $0x80000047  }
0x4: {  	s14 =	simm.s32 $0x0;
	s15 =	simm.s32 $0x2;
	s16 =	simm.s32 $0x400  }
0x5: {  	s1 =	sand.u32 $0x1, s1;
	s24 =	sshll.u32 s0, $0x3;
	s5 =	sadd.s32 $0x80, s9  }
0x6: {  	s29 =	sshll.u32 s0, $0x7;
	[dreg:$0x6] =	wrdreg s5;
	s25 =	sadd.s32 $0xF20, s24  }
0x7: {  	s2 =	ssub.s32 $0x2, s1;
	s26 =	sadd.s32 $0xFA0, s24;
	[dreg:$0x7] =	wrdreg s25  }
0x8: {  	s4 =	sor.u32 s0, s1;
	s28 =	sadd.s32 $0x1020, s24;
	[dreg:$0x8] =	wrdreg s26  }
0x9: {  	s30 =	sadd.s32 $0x10A0, s24;
	s31 =	sadd.s32 s29, s8;
	[dreg:$0x9] =	wrdreg s28  }
0xa: {  	p0 =	sne.s32 s1, $0x0;
	s3 =	sshrl.u32 s2, $0x1;
	[dreg:$0xa] =	wrdreg s30  }
.Ltmp0:
0xb: {  	[dreg:$0xb] =	wrdreg s31;
	s0 =	simm.s32 @!p0 $0x0;
	(pc) =	sbr.rel .LBB2_1-.Ltmp0, $4  }
0xc: {  	p1 =	sne.s32 s4, $0x0;
	s2 =	ssub.s32 s2, s3;
	s0 =	simm.s32 @p0 $0x1  }
0xd: {  	s10 =	smax.u32 s2, $0x1;
	[smem:$0x7FC] =	sst s0;
	s0 =	simm.s32 @!p1 $0x0  }
0xe: {  	s17 =	simm.s32 $0x900;
	v1 =	vlaneseq.u32;
	[dreg:$0xc] =	wrdreg s10;
	s0 =	simm.s32 @p1 $0x1  }
0xf: {  	v0 =	vimm.s32 $0xFFC00;
	v2 =	vimm.s32 $0x0;
	v3 =	vadd.s32 $0x1, v1;
	s24 =	simm.s32 $0x1;
	s26 =	simm.s32 $0x0;
	[smem:$0x7FD] =	sst s0  }
.LBB2_22:
0x10: {  	[bflag:$0x0] =	sbarrier.arrive $0xFFFF;
	s0 =	simm.s32 @!p1 $0x21A0  }
0x11: {  	[tilespmem:s0], [sflag:$0x2] =	stream.linear.gather @!p1 [spmem:s8], $0x800, $0x38;
	[tilespmem:$0x2A20] =	vst v63  }
0x12: {  	s0 =	simm.s32 @!p1 $0x2  }
0x13: {  	_ =	swait.ge @!p1 [sflag:s0], $0x800  }
0x14: {  	[sflag:s0] =	ssyncset.done @!p1 $0x0  }
0x15: {  	[sflag:s0] =	ssyncadd.s32 @!p1 $0xFFFFF800  }
0x16: {  	v4 =	vld @!p1 [tilespmem:$0x21A0];
	_ =	sdelay $0x1  }
0x17: {  	v5 =	vld @!p1 [tilespmem:$0x2220];
	_ =	sdelay $0x1  }
0x18: {  	v6 =	vld @!p1 [tilespmem:$0x22A0]  }
0x19: {  	v4 =	vadd.f32 @!p1 $0.0e+00, v4  }
0x1a: {  	v7 =	vld @!p1 [tilespmem:$0x2320]  }
0x1b: {  	v4 =	vadd.f32 @!p1 v5, v4  }
0x1c: {  	v5 =	vld @!p1 [tilespmem:$0x23A0]  }
0x1d: {  	v4 =	vadd.f32 @!p1 v6, v4  }
0x1e: {  	v6 =	vld @!p1 [tilespmem:$0x2420]  }
0x1f: {  	v4 =	vadd.f32 @!p1 v7, v4  }
0x20: {  	v7 =	vld @!p1 [tilespmem:$0x24A0]  }
0x21: {  	v4 =	vadd.f32 @!p1 v5, v4  }
0x22: {  	v5 =	vld @!p1 [tilespmem:$0x2520]  }
0x23: {  	v4 =	vadd.f32 @!p1 v6, v4  }
0x24: {  	v6 =	vld @!p1 [tilespmem:$0x25A0]  }
0x25: {  	v4 =	vadd.f32 @!p1 v7, v4  }
0x26: {  	v7 =	vld @!p1 [tilespmem:$0x2620]  }
0x27: {  	v4 =	vadd.f32 @!p1 v5, v4  }
0x28: {  	v5 =	vld @!p1 [tilespmem:$0x26A0]  }
0x29: {  	v4 =	vadd.f32 @!p1 v6, v4  }
0x2a: {  	v6 =	vld @!p1 [tilespmem:$0x2720]  }
0x2b: {  	v4 =	vadd.f32 @!p1 v7, v4  }
0x2c: {  	v7 =	vld @!p1 [tilespmem:$0x27A0]  }
0x2d: {  	v4 =	vadd.f32 @!p1 v5, v4  }
0x2e: {  	v5 =	vld @!p1 [tilespmem:$0x2820]  }
0x2f: {  	v4 =	vadd.f32 @!p1 v6, v4  }
0x30: {  	v6 =	vld @!p1 [tilespmem:$0x28A0]  }
0x31: {  	v4 =	vadd.f32 @!p1 v7, v4  }
0x32: {  	v7 =	vld @!p1 [tilespmem:$0x2920]  }
0x33: {  	v4 =	vadd.f32 @!p1 v5, v4;
	_ =	sdelay $0x1  }
0x34: {  	v4 =	vadd.f32 @!p1 v6, v4;
	_ =	sdelay $0x1  }
0x35: {  	v4 =	vadd.f32 @!p1 v7, v4;
	_ =	sdelay $0x1  }
0x36: {  	(xrf2) =	vadd.scan.msk.f32 @!p1 $0xffff, v4;
	_ =	sdelay $0x9  }
0x37: {  	v4, _, _ =	vpop @!p1 (xrf2)  }
0x38: {  	(v2sf) =	vpush @!p1 v4, $0xF;
	_ =	sdelay $0xe  }
0x39: {  	s1 =	spop @!p1 (v2sf)  }
0x3a: {  	v4 =	vbroadcast @!p1 v4, $0xF;
	s1 =	smul.f32 @!p1 $3.906250000e-03, s1  }
0x3b: {  	vm0 =	vmmov @!p1 $0x1;
	s26 =	sadd.s32 $0x1, s26  }
0x3c: {  	p0 =	sne.s32 s26, s10;
	v4 =	vnsel @!p1 vm0, s1, v4  }
.Ltmp1:
0x3d: {  	s2 =	simm.s32 @!p1 $0x29A0;
	s1 =	simm.s32 @!p1 $0x0;
	[tilespmem:$0x29A0] =	vst @!p1 v4;
	(pc) =	sbr.rel @!p0 .LBB2_23-.Ltmp1, $4  }
0x3e: {  	[hbm4b:s7+s1] =	stream.linear.scatter @!p1 [tilespmem:s2], [sflag:$0x2], $0x80, $0x38;
	[tilespmem:$0x2A20] =	vst v63  }
0x3f: {  	_ =	swait.ge @!p1 [sflag:s0], $0x80  }
0x40: {  	[sflag:s0] =	ssyncset.done @!p1 $0x0  }
0x41: {  	[sflag:s0] =	ssyncadd.s32 @!p1 $0xFFFFFF80  }
.LBB2_1:
.Ltmp2:
0x42: {  	(pc) =	sbr.rel @p1 .LBB2_17-.Ltmp2, $1  }
0x43: {  	_ =	sdelay $0x3  }
0x44: {  	s1 =	simm.s32 $0x0;
	s0 =	rddreg [dreg:$0x1]  }
0x45: {  	[tilespmem:s1], [sflag:$0x2] =	stream.linear.gather [hbm4b:s0+s1], $0x400, $0x38;
	[tilespmem:$0x2A20] =	vst v63  }
0x46: {  	_ =	swait.ge [sflag:s15], $0x400  }
0x47: {  	[sflag:s15] =	ssyncset.done $0x0  }
0x48: {  	[sflag:s15] =	ssyncadd.s32 $0xFFFFFC00  }
0x49: {  	[tilespmem:$0x400] =	vst v0  }
0x4a: {  	[tilespmem:$0x900] =	vst v0  }
0x4b: {  	[tilespmem:$0x410] =	vst v0  }
0x4c: {  	[tilespmem:$0x910] =	vst v0  }
0x4d: {  	[tilespmem:$0x420] =	vst v0  }
0x4e: {  	[tilespmem:$0x920] =	vst v0  }
0x4f: {  	[tilespmem:$0x430] =	vst v0  }
0x50: {  	[tilespmem:$0x930] =	vst v0  }
0x51: {  	[tilespmem:$0x440] =	vst v0  }
0x52: {  	[tilespmem:$0x940] =	vst v0  }
0x53: {  	[tilespmem:$0x450] =	vst v0  }
0x54: {  	[tilespmem:$0x950] =	vst v0  }
0x55: {  	[tilespmem:$0x460] =	vst v0  }
.Ltmp3:
0x56: {  	[tilespmem:$0x960] =	vst v0;
	(pc) =	sbr.rel .LBB2_3-.Ltmp3, $4  }
0x57: {  	[tilespmem:$0x470] =	vst v0  }
0x58: {  	[tilespmem:$0x970] =	vst v0  }
0x59: {  	s5 =	simm.s32 $0x1;
	s30 =	simm.s32 $0x0;
	[smem:$0x0] =	sst s1;
	[tilespmem:$0x480] =	vst v0  }
0x5a: {  	s18 =	simm.s32 $0x0;
	s20 =	simm.s32 $0x0;
	[tilespmem:$0x980] =	vst v0;
	[smem:$0x1] =	sst s1  }
.LBB2_15:
0x5b: {  	s30 =	sadd.s32 $0x1, s30  }
0x5c: {  	p0 =	sne.s32 s30, $0x40  }
.Ltmp4:
0x5d: {  	_ = 	snop;
	(pc) =	sbr.rel @!p0 .LBB2_16-.Ltmp4, $2  }
0x5e: {  	_ =	sdelay $0x2  }
0x5f: {  	s1 =	sadd.s32 $0xFFFFFFF0, s1;
	s5 =	sadd.s32 $0x10, s5  }
.LBB2_3:
0x60: {  	p1 =	slt.s32 s18, $0x80  }
0x61: {  	p2 =	sgt.s32 @!p1 s20, $0x7F  }
0x62: {  	p1 =	por p1, !p2  }
.Ltmp5:
0x63: {  	_ = 	snop;
	(pc) =	sbr.rel @!p1 .LBB2_15-.Ltmp5, $1  }
0x64: {  	_ =	sdelay $0x3  }
.Ltmp6:
0x65: {  	(pc) =	sbr.rel .LBB2_5-.Ltmp6, $3  }
0x66: {  	_ =	sdelay $0x1  }
0x67: {  	s31 =	sshll.u32 s30, $0x4  }
0x68: {  	s2 =	simm.s32 $0x0;
	s29 =	smov.u32 s5;
	s28 =	smov.u32 s1  }
.LBB2_6:
0x69: {  	s20 =	smov.u32 @p1 s20;
	s18 =	smov.u32 @p1 s18  }
.LBB2_14:
0x6a: {  	s2 =	sadd.s32 $0x1, s2  }
0x6b: {  	p0 =	sne.s32 s2, $0x10  }
.Ltmp7:
0x6c: {  	_ = 	snop;
	(pc) =	sbr.rel @!p0 .LBB2_15-.Ltmp7, $2  }
0x6d: {  	_ =	sdelay $0x2  }
0x6e: {  	s28 =	sadd.s32 $0xFFFFFFFF, s28;
	s29 =	sadd.s32 $0x1, s29  }
.LBB2_5:
0x6f: {  	s3 =	sadd.s32 s31, s2  }
0x70: {  	p1 =	sgt.u32 s3, $0x3FE  }
0x71: {  	p2 =	slt.s32 @!p1 s18, $0x80  }
0x72: {  	p3 =	por p2, p1  }
0x73: {  	p3 =	sgt.s32 @!p3 s20, $0x7F  }
0x74: {  	p2 =	por @!p1 p2, !p3  }
0x75: {  	p2 =	por p1, !p2  }
.Ltmp8:
0x76: {  	_ = 	snop;
	(pc) =	sbr.rel @p2 .LBB2_6-.Ltmp8, $1  }
0x77: {  	_ =	sdelay $0x3  }
0x78: {  	s4 =	sadd.s32 $0x1, s3  }
0x79: {  	s6 =	sshrl.u32 s4, $0x4  }
0x7a: {  	s4 =	ssub.s32 $0x40, s6  }
0x7b: {  	s4 =	sand.u32 $0x7C, s4  }
0x7c: {  	v4 =	vmov s3;
	p1 =	seq.s32 s4, $0x0  }
.Ltmp9:
0x7d: {  	_ = 	snop;
	(pc) =	sbr.rel @p1 .LBB2_10-.Ltmp9, $4  }
0x7e: {  	_ = 	snop  }
0x7f: {  	s22 =	sshrl.u32 s29, $0x4  }
0x80: {  	s25 =	sshll.u32 s3, $0xA;
	s21 =	sand.u32 $0xFFFFFFF0, s29;
	s3 =	smov.u32 s18  }
0x81: {  	s23 =	sshll.u32 s22, $0x6;
	v6 =	vmov s25;
	s25 =	sadd.s32 s6, s4;
	s4 =	smov.u32 s20;
	v5 =	vld.idx.msk [tilespmem:v4+s14+$0x0], $0xffff  }
0x82: {  	s3 =	sshrl.u32 s23, $0x2  }
0x83: {  	s11 =	sadd.s32 $0x20, s3  }
0x84: {  	v7 =	vld [tilespmem:s11+$0xFFFFFFE0]  }
0x85: {  	v9 =	vld [tilespmem:s11+$0x0]  }
0x86: {  	v10 =	vld [tilespmem:s11+$0xFFFFFFF0]  }
0x87: {  	v11 =	vor.u32 s21, v1;
	s12 =	sadd.s32 $0x10, s21;
	s4 =	sadd.s32 $0x20, s21  }
0x88: {  	s13 =	sadd.s32 $0x30, s21;
	vm10 =	vgt.u32 v11, v4;
	v16 =	vor.u32 s12, v1;
	v12 =	vor.u32 s4, v1;
	v14 =	vld [tilespmem:s11+$0x10]  }
0x89: {  	v13 =	vor.u32 s13, v1;
	vm5 =	vgt.u32 v12, v4;
	vm0 =	veq.s32 v7, v5  }
0x8a: {  	vm4 =	vgt.u32 v16, v4;
	vm9 =	vmand vm10, vm0;
	vm0 =	veq.s32 v9, v5  }
0x8b: {  	vm3 =	veq.s32 v10, v5;
	v8 =	vmpcnt.ones.xlane vm9;
	vm0 =	vmand vm5, vm0  }
0x8c: {  	vm6 =	vgt.u32 v13, v4;
	vm3 =	vmand vm4, vm3;
	v15 =	vmpcnt.ones.xlane vm0  }
0x8d: {  	vm7 =	veq.s32 v14, v5;
	(v2sf) =	vpush v8, $0x0;
	v8 =	vmpcnt.ones.xlane vm3  }
0x8e: {  	vm7 =	vmand vm6, vm7;
	(v2sf) =	vpush v15, $0x0  }
0x8f: {  	(v2sf) =	vpush v8, $0x0;
	v8 =	vmpcnt.ones.xlane vm7;
	_ =	sdelay $0x1  }
0x90: {  	(v2sf) =	vpush v8, $0x0;
	v8 =	vsub.s32 v16, v4  }
0x91: {  	v17 =	vsub.s32 v11, v4;
	vm8 =	vlt.s32 v8, v3  }
0x92: {  	v15 =	vsel vm9, $0x1, v2;
	v8 =	vsel vm8, v8, v3;
	vm8 =	vlt.s32 v17, v3  }
0x93: {  	vm11 =	vne.s32 v10, v5;
	(xrf0) =	vadd.scan.msk.s32 $0xffff, v15;
	v10 =	vsel vm8, v17, v3;
	v17 =	vmov s20  }
0x94: {  	vm2 =	vmxor vm2, vm2;
	v17 =	vadd.s32 $0xFFFFFFFF, v17  }
0x95: {  	p2 =	slt.s32 s20, $0x80;
	p3 =	slt.s32 s18, $0x80;
	vm1 =	vmmov vm2;
	v17 =	vbroadcast v17, $0x0  }
0x96: {  	v18 =	vmov s18;
	vm2 =	vmneg @p3 vm2;
	vm1 =	vmneg @p2 vm1  }
0x97: {  	s7 =	sadd.s32 s21, s28;
	vm8 =	vmand vm4, vm11;
	vm11 =	vne.s32 v7, v5;
	v7 =	vadd.s32 $0xFFFFFFFF, v18  }
0x98: {  	s3 =	sadd.s32 $0x4, s6;
	p4 =	slt.s32 s7, $0x1;
	s4 =	smov.u32 s7;
	vm9 =	vmand vm2, vm9;
	v15 =	vsel vm0, $0x1, v2;
	v7 =	vbroadcast v7, $0x0  }
0x99: {  	p5 =	slt.s32 s7, $0xFFFFFFF1;
	p1 =	slt.s32 s7, $0xFFFFFFD1;
	s6 =	smov.u32 s7;
	vm4 =	vmand vm2, vm0;
	vm0 =	vmand vm10, vm11;
	v10 =	vadd.s32 v10, v17;
	v17, _, _ =	vpop (xrf0)  }
0x9a: {  	s9 =	smov.u32 s7;
	s4 =	simm.s32 @!p4 $0x1;
	p4 =	slt.s32 s7, $0xFFFFFFE1;
	vm0 =	vmand vm1, vm0;
	v7 =	vadd.s32 v17, v7  }
0x9b: {  	s6 =	simm.s32 @!p5 $0xFFFFFFF1;
	s7 =	simm.s32 @!p1 $0xFFFFFFD1;
	vm10 =	vne.s32 v9, v5;
	v9 =	vsub.s32 v10, v17;
	s8 =	spop (v2sf)  }
0x9c: {  	p5 =	slt.u32 s3, s25;
	s4 =	ssub.s32 s4, s8;
	s12 =	spop (v2sf)  }
0x9d: {  	v11 =	vadd.s32 v6, v11;
	vm13 =	vmmov vm7;
	vm11 =	vne.s32 v14, v5;
	s8 =	simm.s32 @!p3 $0x0;
	s10 =	sadd.s32 $0xF, s4;
	s0 =	spop (v2sf)  }
0x9e: {  	(xrf0) =	vadd.scan.msk.s32 $0xffff, v15;
	v14 =	vsub.s32 v13, v4;
	vm5 =	vmand vm5, vm10;
	v10 =	vsub.s32 v12, v4;
	s8 =	sadd.s32 s18, s8;
	s6 =	ssub.s32 s6, s0;
	s0 =	simm.s32 @!p3 $0x0  }
0x9f: {  	s11 =	sadd.s32 $0x40, s11;
	vm10 =	vmand vm6, vm11;
	vm11 =	vlt.s32 v14, v3;
	vm6 =	vlt.s32 v10, v3;
	s10 =	simm.s32 @!p2 $0x0;
	[tilespmem:v7+s16+$0x0] =	vst.idx.msk vm9, v11;
	s0 =	sadd.s32 s8, s0  }
.Ltmp10:
0xa0: {  	s9 =	simm.s32 @!p4 $0xFFFFFFE1;
	v18 =	vsel vm11, v14, v3;
	v17 =	vsel vm6, v10, v3;
	s19 =	sadd.s32 s20, s10;
	[tilespmem:v9+s17+$0x0] =	vst.idx.msk vm0, v11;
	v9 =	vmov s0;
	(pc) =	sbr.rel @!p5 .LBB2_9-.Ltmp10, $4  }
0xa1: {  	p4 =	por $0x0, $0x0;
	vm6 =	vmmov vm5;
	s4 =	ssub.s32 s9, s12;
	s10 =	sadd.s32 $0x1F, s6;
	v10 =	vmov s19;
	v9 =	vadd.s32 $0xFFFFFFFF, v9  }
0xa2: {  	vm5 =	vmmov vm10;
	s12 =	simm.s32 @!p3 $0x0;
	v7 =	vsel vm7, $0x1, v2;
	s6 =	spop (v2sf);
	s10 =	simm.s32 @!p2 $0x0;
	v10 =	vadd.s32 $0xFFFFFFFF, v10  }
0xa3: {  	s9 =	sadd.s32 $0x40, s21;
	v19 =	vmov s8;
	s7 =	ssub.s32 s7, s6;
	(xrf0) =	vadd.scan.msk.s32 $0xffff, v7;
	s10 =	sadd.s32 s19, s10;
	v24 =	vbroadcast v10, $0x0;
	v10 =	vsel vm3, $0x1, v2  }
0xa4: {  	s6 =	simm.s32 @!p3 $0x0;
	v7 =	vadd.s32 v6, v12;
	s8 =	sadd.s32 $0x3F, s7;
	s7 =	sadd.s32 s0, s12;
	v26 =	vbroadcast v9, $0x0;
	v14 =	vmov s10;
	(xrf0) =	vadd.scan.msk.s32 $0xffff, v10;
	v9, _, _ =	vpop (xrf0)  }
0xa5: {  	vm0 =	vmand vm1, vm8;
	v10 =	vimm.s32 $0x0  }
0xa6: {  	v12 =	vld [tilespmem:s11+$0xFFFFFFE0];
	v10 =	vsel vm0, $0xFFFFFFFF, v10  }
0xa7: {  	s0 =	sadd.s32 $0x10, s9;
	v21 =	vadd.s32 v8, v24;
	v25 =	vimm.s32 $0x0;
	v27 =	vimm.s32 $0x0;
	[tilespmem:$0x1FFF0] =	vst v10  }
0xa8: {  	s12 =	sadd.s32 $0x20, s9;
	v19 =	vadd.s32 $0xFFFFFFFF, v19;
	v11 =	vor.u32 s0, v1;
	vm0 =	vmand vm2, vm3;
	v15 =	vld [tilespmem:s11+$0x10]  }
0xa9: {  	v20 =	vor.u32 s12, v1;
	v23 =	vadd.s32 v9, v26;
	v25 =	vsel vm0, $0xFFFFFFFF, v25;
	v22 =	vld [tilespmem:s11+$0x0]  }
0xaa: {  	v27 =	vsel vm13, $0xFFFFFFFF, v27;
	v19 =	vbroadcast v19, $0x0;
	v24 =	vld [tilespmem:s11+$0xFFFFFFF0];
	[tilespmem:$0x1FFD0] =	vst v25;
	v25 =	vor.u32 s9, v1  }
0xab: {  	s12 =	sadd.s32 $0x30, s9;
	v8 =	vsub.s32 v11, v4;
	vm14 =	vgt.u32 v25, v4;
	vm3 =	veq.s32 v12, v5  }
0xac: {  	v10 =	vor.u32 s12, v1;
	vm11 =	vgt.u32 v20, v4;
	vm12 =	vmand vm14, vm3  }
0xad: {  	vm15 =	vgt.u32 v11, v4;
	vm8 =	vlt.s32 v8, v3;
	v26 =	vmpcnt.ones.xlane vm12  }
0xae: {  	vm9 =	vgt.u32 v10, v4;
	v8 =	vsel vm8, v8, v3;
	vm3 =	veq.s32 v15, v5  }
0xaf: {  	vm0 =	veq.s32 v24, v5;
	(v2sf) =	vpush v26, $0x0;
	v26 =	vsub.s32 v25, v4  }
0xb0: {  	vm13 =	vmand vm9, vm3;
	vm3 =	vmand vm15, vm0;
	vm0 =	vlt.s32 v26, v3  }
0xb1: {  	[tilespmem:$0x1FFE0] =	vst v27;
	vm10 =	veq.s32 v22, v5;
	v26 =	vsel vm0, v26, v3;
	vm0 =	vne.s32 v24, v5  }
0xb2: {  	[tilespmem:v23+s16+$0x0] =	vst.idx.msk vm4, v7;
	vm10 =	vmand vm11, vm10;
	vm8 =	vmand vm15, vm0;
	vm0 =	vne.s32 v12, v5  }
0xb3: {  	v63 =	vld [tilespmem:$0x1FFD0];
	v27 =	vmpcnt.ones.xlane vm10;
	vm14 =	vmand vm14, vm0;
	vm0 =	vne.s32 v22, v5  }
0xb4: {  	v12 =	vsub.s32 v20, v4;
	vm11 =	vmand vm11, vm0;
	vm0 =	vne.s32 v15, v5  }
0xb5: {  	v15 =	vsub.s32 v10, v4;
	vm0 =	vmand vm9, vm0;
	vm9 =	vlt.s32 v12, v3  }
0xb6: {  	v29 =	vsel vm12, $0x1, v2;
	v12 =	vsel vm9, v12, v3;
	vm9 =	vlt.s32 v15, v3  }
0xb7: {  	s0 =	sadd.s32 $0x2F, s4;
	v28 =	vmpcnt.ones.xlane vm3;
	(v2sf) =	vpush v27, $0x0;
	v22, _, _ =	vpop (xrf0);
	v15 =	vsel vm9, v15, v3  }
0xb8: {  	s0 =	simm.s32 @!p2 $0x0;
	v27, _, _ =	vpop (xrf0);
	vm9 =	vmand vm1, vm5;
	vm5 =	vmmov vm0;
	vm0 =	vnez.u8 v63  }
0xb9: {  	s8 =	simm.s32 @!p2 $0x0;
	s0 =	sadd.s32 s10, s0;
	(xrf0) =	vadd.scan.msk.s32 $0xffff, v29;
	v24 =	vmpcnt.ones.xlane vm13;
	v19 =	vadd.s32 v27, v19  }
0xba: {  	s4 =	sadd.s32 s0, s8;
	(v2sf) =	vpush v28, $0x0  }
0xbb: {  	s6 =	sadd.s32 s7, s6;
	v16 =	vadd.s32 v6, v16;
	(v2sf) =	vpush v24, $0x0;
	v24 =	vmov s4  }
0xbc: {  	v14 =	vadd.s32 $0xFFFFFFFF, v14;
	v60 =	vmov s6;
	v24 =	vadd.s32 $0xFFFFFFFF, v24  }
0xbd: {  	v14 =	vbroadcast v14, $0x0;
	v28 =	vadd.s32 $0xFFFFFFFF, v60;
	v24 =	vbroadcast v24, $0x0  }
0xbe: {  	v21 =	vsub.s32 v21, v27;
	v27 =	vbroadcast v28, $0x0;
	[tilespmem:v19+s16+$0x0] =	vst.idx.msk vm0, v16  }
0xbf: {  	v14 =	vadd.s32 v17, v14;
	v24 =	vadd.s32 v26, v24;
	v26, _, _ =	vpop (xrf0);
	v17 =	vld [tilespmem:$0x1FFE0]  }
0xc0: {  	v27 =	vadd.s32 v26, v27;
	v24 =	vsub.s32 v24, v26;
	v26 =	vmov s0  }
0xc1: {  	v26 =	vadd.s32 $0xFFFFFFFF, v26  }
0xc2: {  	v26 =	vbroadcast v26, $0x0;
	_ =	sdelay $0x1  }
0xc3: {  	vm0 =	vnez.u8 v17;
	v17 =	vadd.s32 v18, v26;
	v18 =	vld [tilespmem:$0x1FFF0];
	_ =	sdelay $0x1  }
0xc4: {  	s3 =	sadd.s32 $0x4, s3  }
0xc5: {  	p5 =	slt.u32 s3, s25;
	s11 =	sadd.s32 $0x40, s11;
	s8 =	sadd.s32 s9, s28  }
0xc6: {  	s9 =	sadd.s32 $0x40, s9;
	p1 =	slt.s32 s8, $0x1;
	s10 =	smov.u32 s8  }
0xc7: {  	p4 =	slt.s32 s8, $0xFFFFFFE1;
	s10 =	simm.s32 @!p1 $0x1;
	vm15 =	vmand vm2, vm12;
	s12 =	spop (v2sf);
	vm12 =	vmand vm2, vm0;
	vm0 =	vnez.u8 v18  }
0xc8: {  	v61 =	vmov s7;
	s19 =	smov.u32 s8;
	p1 =	slt.s32 s8, $0xFFFFFFF1;
	s13 =	ssub.s32 s10, s12  }
0xc9: {  	v23 =	vsel vm10, $0x1, v2;
	v28 =	vadd.s32 $0xFFFFFFFF, v61;
	s10 =	smov.u32 s8;
	s12 =	simm.s32 @!p3 $0x0;
	s7 =	spop (v2sf)  }
0xca: {  	v25 =	vadd.s32 v6, v25;
	vm14 =	vmand vm1, vm14;
	(xrf0) =	vadd.scan.msk.s32 $0xffff, v23;
	v23 =	vbroadcast v28, $0x0;
	s10 =	simm.s32 @!p1 $0xFFFFFFF1;
	s0 =	sadd.s32 $0xF, s13;
	s13 =	spop (v2sf)  }
0xcb: {  	vm4 =	vmand vm2, vm10;
	vm10 =	vmmov vm6;
	v62 =	vsel vm13, $0x1, v2;
	s12 =	sadd.s32 s6, s12;
	s10 =	ssub.s32 s10, s13;
	s13 =	simm.s32 @!p3 $0x0  }
0xcc: {  	s19 =	simm.s32 @!p4 $0xFFFFFFE1;
	vm10 =	vmand vm1, vm10;
	v23 =	vadd.s32 v22, v23;
	s0 =	simm.s32 @!p2 $0x0;
	v19 =	vmov s12;
	s12 =	sadd.s32 s12, s13  }
.Ltmp11:
0xcd: {  	p1 =	slt.s32 s8, $0xFFFFFFD1;
	s0 =	sadd.s32 s4, s0;
	[tilespmem:v21+s17+$0x0] =	vst.idx.msk vm0, v16;
	v21 =	vsub.s32 v17, v22;
	v22 =	vsub.s32 v14, v9;
	v9 =	vmov s12;
	(pc) =	sbr.rel @!p5 .LBB2_25-.Ltmp11, $4  }
0xce: {  	p4 =	por $0x1, $0x1;
	vm13 =	vmmov vm13;
	s8 =	simm.s32 @!p1 $0xFFFFFFD1;
	s10 =	sadd.s32 $0x1F, s10;
	v16 =	vmov s0;
	v9 =	vadd.s32 $0xFFFFFFFF, v9  }
0xcf: {  	vm7 =	vmmov vm11;
	(xrf0) =	vadd.scan.msk.s32 $0xffff, v62;
	s4 =	ssub.s32 s19, s7;
	[tilespmem:v27+s16+$0x0] =	vst.idx.msk vm15, v25;
	s6 =	spop (v2sf);
	s10 =	simm.s32 @!p2 $0x0;
	v16 =	vadd.s32 $0xFFFFFFFF, v16  }
0xd0: {  	s7 =	simm.s32 @!p3 $0x0;
	[tilespmem:v24+s17+$0x0] =	vst.idx.msk vm14, v25;
	s8 =	ssub.s32 s8, s6;
	v25 =	vadd.s32 v6, v13;
	s10 =	sadd.s32 s0, s10;
	v24 =	vbroadcast v16, $0x0;
	v16 =	vsel vm3, $0x1, v2  }
0xd1: {  	s6 =	simm.s32 @!p3 $0x0;
	s8 =	sadd.s32 $0x3F, s8;
	s7 =	sadd.s32 s12, s7;
	v18 =	vadd.s32 v6, v20;
	v14 =	vmov s10;
	v26 =	vbroadcast v9, $0x0;
	(xrf0) =	vadd.scan.msk.s32 $0xffff, v16;
	v9, _, _ =	vpop (xrf0)  }
.LBB2_26:
0xd2: {  	v13 =	vimm.s32 $0x0  }
0xd3: {  	v19 =	vadd.s32 $0xFFFFFFFF, v19;
	v8 =	vadd.s32 v8, v24;
	vm15 =	vmand vm2, vm3  }
0xd4: {  	v20 =	vld [tilespmem:s11+$0xFFFFFFE0];
	s0 =	sadd.s32 $0x10, s9;
	[tilespmem:v23+s16+$0x0] =	vst.idx.msk vm12, v25;
	vm6 =	vmmov vm5;
	v14 =	vadd.s32 $0xFFFFFFFF, v14;
	v13 =	vsel vm13, $0xFFFFFFFF, v13  }
0xd5: {  	s13 =	sadd.s32 $0x30, s9;
	vm13 =	vmand vm1, vm8;
	v23 =	vor.u32 s0, v1;
	v24 =	vld [tilespmem:s11+$0x10];
	v26 =	vadd.s32 v9, v26;
	[tilespmem:v21+s17+$0x0] =	vst.idx.msk vm9, v25  }
0xd6: {  	s12 =	sadd.s32 $0x20, s9;
	v25 =	vld [tilespmem:s11+$0x0];
	v16 =	vor.u32 s13, v1;
	v19 =	vbroadcast v19, $0x0;
	[tilespmem:v22+s17+$0x0] =	vst.idx.msk vm10, v7;
	v22 =	vadd.s32 v6, v11  }
0xd7: {  	v14 =	vbroadcast v14, $0x0;
	[tilespmem:$0x1FFE0] =	vst v13;
	v13 =	vor.u32 s12, v1;
	v21 =	vsub.s32 v23, v4  }
0xd8: {  	v7 =	vmovc v18;
	v18 =	vld [tilespmem:s11+$0xFFFFFFF0];
	v11 =	vmovc v23;
	v23 =	vor.u32 s9, v1;
	vm9 =	vgt.u32 v16, v4;
	vm8 =	vlt.s32 v21, v3  }
0xd9: {  	v17, _, _ =	vpop (xrf0);
	vm10 =	vgt.u32 v13, v4;
	vm14 =	vgt.u32 v23, v4;
	vm3 =	veq.s32 v20, v5  }
0xda: {  	vm0 =	vgt.u32 v11, v4;
	v14 =	vadd.s32 v12, v14;
	v27, _, _ =	vpop (xrf0);
	vm12 =	vmand vm14, vm3  }
0xdb: {  	vm3 =	veq.s32 v24, v5;
	v28 =	vsub.s32 v8, v27;
	v8 =	vmpcnt.ones.xlane vm12  }
0xdc: {  	vm5 =	vmmov vm1;
	[tilespmem:v26+s16+$0x0] =	vst.idx.msk vm4, v7;
	vm4 =	veq.s32 v25, v5;
	v19 =	vadd.s32 v27, v19  }
0xdd: {  	vm1 =	veq.s32 v18, v5;
	vm4 =	vmand vm10, vm4;
	(v2sf) =	vpush v8, $0x0  }
0xde: {  	vm11 =	vmand vm9, vm3;
	vm3 =	vmand vm0, vm1;
	v26 =	vmpcnt.ones.xlane vm4  }
0xdf: {  	s0 =	sadd.s32 $0x2F, s4;
	v27 =	vsub.s32 v23, v4;
	v31 =	vsel vm12, $0x1, v2;
	v29 =	vmpcnt.ones.xlane vm3  }
0xe0: {  	s0 =	simm.s32 @!p2 $0x0;
	vm1 =	vlt.s32 v27, v3;
	(xrf0) =	vadd.scan.msk.s32 $0xffff, v31;
	v8 =	vsel vm8, v21, v3;
	(v2sf) =	vpush v26, $0x0  }
0xe1: {  	s8 =	simm.s32 @!p2 $0x0;
	s0 =	sadd.s32 s10, s0;
	vm8 =	vne.s32 v18, v5;
	v18 =	vmpcnt.ones.xlane vm11;
	(v2sf) =	vpush v29, $0x0  }
0xe2: {  	s6 =	sadd.s32 s7, s6;
	s8 =	sadd.s32 s0, s8;
	v30 =	vsel vm4, $0x1, v2;
	vm4 =	vmand vm2, vm4;
	v21 =	vsel vm1, v27, v3  }
0xe3: {  	[tilespmem:v19+s16+$0x0] =	vst.idx.msk vm15, v22;
	v19 =	vmov s8;
	(v2sf) =	vpush v18, $0x0;
	v18 =	vmov s6  }
0xe4: {  	vm8 =	vmand vm0, vm8;
	v19 =	vadd.s32 $0xFFFFFFFF, v19;
	v18 =	vadd.s32 $0xFFFFFFFF, v18  }
0xe5: {  	vm0 =	vne.s32 v20, v5;
	v19 =	vbroadcast v19, $0x0;
	v18 =	vbroadcast v18, $0x0  }
0xe6: {  	vm1 =	vmand vm2, vm12;
	vm12 =	vne.s32 v25, v5;
	vm0 =	vmand vm14, vm0;
	v20, _, _ =	vpop (xrf0)  }
0xe7: {  	vm0 =	vmand vm5, vm0;
	v19 =	vadd.s32 v21, v19;
	v18 =	vadd.s32 v20, v18  }
0xe8: {  	s3 =	sadd.s32 $0x4, s3;
	vm12 =	vmand vm10, vm12;
	[tilespmem:v28+s17+$0x0] =	vst.idx.msk vm13, v22;
	vm13 =	vne.s32 v24, v5;
	v19 =	vsub.s32 v19, v20  }
0xe9: {  	p5 =	slt.u32 s3, s25;
	s10 =	sadd.s32 s9, s28;
	v22 =	vadd.s32 v6, v23;
	v21 =	vsub.s32 v16, v4;
	v20 =	vsub.s32 v13, v4  }
0xea: {  	s11 =	sadd.s32 $0x40, s11;
	s9 =	sadd.s32 $0x40, s9;
	p0 =	slt.s32 s10, $0x1;
	vm13 =	vmand vm9, vm13;
	vm10 =	vlt.s32 v21, v3;
	vm9 =	vlt.s32 v20, v3  }
0xeb: {  	v12 =	vld [tilespmem:$0x1FFE0];
	p1 =	slt.s32 s10, $0xFFFFFFF1;
	p6 =	slt.s32 s10, $0xFFFFFFD1;
	s4 =	smov.u32 s10;
	(xrf0) =	vadd.scan.msk.s32 $0xffff, v30;
	v24 =	vsel vm10, v21, v3;
	vm10 =	vmmov vm7;
	vm7 =	vmmov vm12  }
0xec: {  	s13 =	smov.u32 s10;
	s4 =	simm.s32 @!p0 $0x1;
	v21 =	vsel vm11, $0x1, v2;
	v20 =	vsel vm9, v20, v3;
	vm9 =	vmand vm5, vm6;
	[tilespmem:v18+s16+$0x0] =	vst.idx.msk vm1, v22;
	s12 =	spop (v2sf)  }
0xed: {  	p0 =	slt.s32 s10, $0xFFFFFFE1;
	s13 =	simm.s32 @!p1 $0xFFFFFFF1;
	vm1 =	vmmov vm5;
	v18 =	vmov s0;
	[tilespmem:v19+s17+$0x0] =	vst.idx.msk vm0, v22;
	v19 =	vmov s7;
	s19 =	ssub.s32 s4, s12  }
0xee: {  	vm5 =	vmmov vm13;
	v18 =	vadd.s32 $0xFFFFFFFF, v18;
	v19 =	vadd.s32 $0xFFFFFFFF, v19;
	s4 =	smov.u32 s10;
	s10 =	simm.s32 @!p6 $0xFFFFFFD1;
	s0 =	sadd.s32 $0xF, s19  }
0xef: {  	vm13 =	vmmov vm11;
	v18 =	vbroadcast v18, $0x0;
	v19 =	vbroadcast v19, $0x0;
	s7 =	spop (v2sf);
	s12 =	simm.s32 @!p3 $0x0;
	s0 =	simm.s32 @!p2 $0x0  }
0xf0: {  	vm10 =	vmand vm1, vm10;
	vm0 =	vnez.u8 v12;
	v22 =	vsub.s32 v14, v9;
	s12 =	sadd.s32 s6, s12;
	s0 =	sadd.s32 s8, s0;
	s8 =	spop (v2sf)  }
.Ltmp12:
0xf1: {  	vm12 =	vmand vm2, vm0;
	v25 =	vadd.s32 v15, v18;
	v23 =	vadd.s32 v17, v19;
	s13 =	ssub.s32 s13, s8;
	s8 =	simm.s32 @!p3 $0x0;
	(pc) =	sbr.rel @p5 .LBB2_26-.Ltmp12, $4  }
0xf2: {  	(xrf0) =	vadd.scan.msk.s32 $0xffff, v21;
	s4 =	simm.s32 @!p0 $0xFFFFFFE1;
	v21 =	vsub.s32 v25, v17;
	v19 =	vmov s12;
	v18 =	vmov s0;
	s12 =	sadd.s32 s12, s8;
	s8 =	sadd.s32 $0x1F, s13  }
0xf3: {  	v9, _, _ =	vpop (xrf0);
	v25 =	vadd.s32 v6, v10;
	s4 =	ssub.s32 s4, s7;
	s6 =	spop (v2sf);
	v17 =	vadd.s32 $0xFFFFFFFF, v18;
	s8 =	simm.s32 @!p2 $0x0;
	v27 =	vmov s12  }
0xf4: {  	v12 =	vmovc v20;
	v15 =	vmovc v24;
	s7 =	simm.s32 @!p3 $0x0;
	s19 =	ssub.s32 s10, s6;
	v24 =	vbroadcast v17, $0x0;
	v17 =	vsel vm3, $0x1, v2;
	s10 =	sadd.s32 s0, s8;
	v20 =	vadd.s32 $0xFFFFFFFF, v27  }
0xf5: {  	v10 =	vmovc v16;
	s6 =	simm.s32 @!p3 $0x0;
	v18 =	vadd.s32 v6, v13;
	s7 =	sadd.s32 s12, s7;
	s8 =	sadd.s32 $0x3F, s19;
	(xrf0) =	vadd.scan.msk.s32 $0xffff, v17;
	v26 =	vbroadcast v20, $0x0;
	v14 =	vmov s10  }
0xf6: {  	v20 =	vmov v7;
	v7 =	vmov v18  }
0xf7: {  	v16 =	vmovc v11;
	v17 =	vmovc v12;
	v18 =	vmov v15;
	v13 =	vmov v10;
	vm6 =	vmmov vm7  }
.LBB2_28:
0xf8: {  	v10 =	vadd.s32 $0xFFFFFFFF, v19;
	v8 =	vadd.s32 v8, v24;
	vm0 =	vmand vm1, vm8  }
0xf9: {  	s0 =	sadd.s32 $0x2F, s4;
	v15 =	vadd.s32 v9, v26;
	v60 =	vmov s7;
	v14 =	vadd.s32 $0xFFFFFFFF, v14  }
0xfa: {  	vm8 =	vmmov vm1;
	vm11 =	vmand vm2, vm3;
	s0 =	simm.s32 @!p2 $0x0;
	v14 =	vbroadcast v14, $0x0  }
0xfb: {  	v11, _, _ =	vpop (xrf0);
	vm14 =	vmmov vm6;
	v10 =	vbroadcast v10, $0x0;
	v19 =	vadd.s32 $0xFFFFFFFF, v60;
	s0 =	sadd.s32 s10, s0  }
0xfc: {  	vm3 =	vmand vm8, vm14;
	v12, _, _ =	vpop (xrf0);
	v59 =	vmov s0;
	v14 =	vadd.s32 v17, v14  }
0xfd: {  	v8 =	vsub.s32 v8, v12;
	v10 =	vadd.s32 v12, v10;
	v12 =	vadd.s32 $0xFFFFFFFF, v59  }
0xfe: {  	[tilespmem:v23+s16+$0x0] =	vst.idx.msk @p4 vm12, v25;
	v19 =	vbroadcast v19, $0x0;
	v63 =	vsub.s32 v14, v9;
	v12 =	vbroadcast v12, $0x0  }
0xff: {  	vm15 =	vmand vm2, vm13;
	[tilespmem:v22+s17+$0x0] =	vst.idx.msk @p4 vm10, v20  }
0x100: {  	[tilespmem:v21+s17+$0x0] =	vst.idx.msk @p4 vm9, v25;
	vm5 =	vmand vm8, vm5;
	v61 =	vadd.s32 v11, v19;
	v12 =	vadd.s32 v18, v12  }
0x101: {  	v62 =	vadd.s32 v6, v16;
	[tilespmem:v15+s16+$0x0] =	vst.idx.msk vm4, v7;
	v11 =	vsub.s32 v12, v11  }
0x102: {  	[tilespmem:v10+s16+$0x0] =	vst.idx.msk vm11, v62  }
0x103: {  	[tilespmem:v63+s17+$0x0] =	vst.idx.msk vm3, v7  }
0x104: {  	[tilespmem:v8+s17+$0x0] =	vst.idx.msk vm0, v62;
	v8 =	vadd.s32 v6, v13  }
0x105: {  	s8 =	simm.s32 @!p2 $0x0;
	[tilespmem:v61+s16+$0x0] =	vst.idx.msk vm15, v8  }
0x106: {  	s3 =	sadd.s32 s7, s6;
	s4 =	sadd.s32 s0, s8;
	[tilespmem:v11+s17+$0x0] =	vst.idx.msk vm5, v8  }
.LBB2_10:
0x107: {  	p1 =	sgt.u32 s25, $0x3F  }
.Ltmp13:
0x108: {  	_ = 	snop;
	(pc) =	sbr.rel @p1 .LBB2_13-.Ltmp13, $1  }
0x109: {  	_ =	sdelay $0x3  }
0x10a: {  	s6 =	ssub.s32 $0x40, s22  }
0x10b: {  	s7 =	sand.u32 $0xFFFFFFFC, s6;
	s6 =	sshrl.u32 s6, $0x2  }
0x10c: {  	p2 =	slt.s32 s20, $0x80;
	vm2 =	vmxor vm2, vm2;
	s8 =	sshll.u32 s6, $0x6;
	s6 =	sshll.u32 s6, $0x8  }
0x10d: {  	p3 =	slt.s32 s18, $0x80;
	vm1 =	vmmov vm2;
	s7 =	sadd.s32 s7, s22;
	s9 =	sadd.s32 s23, s6  }
0x10e: {  	vm2 =	vmneg @p3 vm2;
	vm1 =	vmneg @p2 vm1;
	s6 =	sadd.s32 $0xFFFFFFFF, s7;
	s7 =	sadd.s32 s21, s8;
	s8 =	sshra.s32 s9, $0x2  }
.LBB2_12:
0x10f: {  	v7 =	vld [tilespmem:s8+$0x0];
	_ =	sdelay $0x3  }
0x110: {  	v8 =	vor.u32 s7, v1  }
0x111: {  	vm0 =	vgt.u32 v8, v4;
	vm3 =	veq.s32 v7, v5  }
0x112: {  	vm3 =	vmand vm0, vm3  }
0x113: {  	v9 =	vmpcnt.ones.xlane vm3;
	_ =	sdelay $0x1  }
0x114: {  	(v2sf) =	vpush v9, $0x0;
	_ =	sdelay $0x4  }
0x115: {  	v62 =	vsel vm3, $0x1, v2  }
0x116: {  	(xrf0) =	vadd.scan.msk.s32 $0xffff, v62;
	_ =	sdelay $0x2  }
0x117: {  	v63 =	vmov s4;
	vm4 =	vne.s32 v7, v5;
	v7 =	vmov s3  }
0x118: {  	v10 =	vsub.s32 v8, v4;
	v7 =	vadd.s32 $0xFFFFFFFF, v7;
	v9 =	vadd.s32 $0xFFFFFFFF, v63  }
0x119: {  	vm5 =	vlt.s32 v10, v3;
	v7 =	vbroadcast v7, $0x0;
	v9 =	vbroadcast v9, $0x0  }
0x11a: {  	s0 =	sadd.s32 s7, s28;
	v10 =	vsel vm5, v10, v3;
	vm4 =	vmand vm1, vm4;
	vm3 =	vmand vm2, vm3;
	v11, _, _ =	vpop (xrf0)  }
0x11b: {  	s6 =	sadd.s32 $0x1, s6;
	p0 =	slt.s32 s0, $0x1;
	vm0 =	vmand vm0, vm4;
	v9 =	vadd.s32 v10, v9;
	v7 =	vadd.s32 v11, v7  }
0x11c: {  	s0 =	simm.s32 @!p0 $0x1;
	p0 =	slt.u32 s6, $0x3F;
	v9 =	vsub.s32 v9, v11  }
.Ltmp14:
0x11d: {  	s9 =	spop (v2sf);
	(pc) =	sbr.rel @p0 .LBB2_12-.Ltmp14, $4  }
0x11e: {  	s0 =	ssub.s32 s0, s9  }
0x11f: {  	v8 =	vor.u32 v6, v8;
	s0 =	sadd.s32 $0xF, s0  }
0x120: {  	s7 =	sadd.s32 $0x10, s7;
	[tilespmem:v7+s16+$0x0] =	vst.idx.msk vm3, v8;
	s9 =	simm.s32 @!p3 $0x0;
	s0 =	simm.s32 @!p2 $0x0  }
0x121: {  	s8 =	sadd.s32 $0x10, s8;
	[tilespmem:v9+s17+$0x0] =	vst.idx.msk vm0, v8;
	s3 =	sadd.s32 s3, s9;
	s4 =	sadd.s32 s4, s0  }
.LBB2_13:
.Ltmp15:
0x122: {  	(pc) =	sbr.rel .LBB2_14-.Ltmp15, $3  }
0x123: {  	_ =	sdelay $0x1  }
0x124: {  	[smem:$0x0] =	sst s3  }
0x125: {  	s20 =	smov.u32 s4;
	s18 =	smov.u32 s3;
	[smem:$0x1] =	sst s4  }
.LBB2_9:
.Ltmp16:
0x126: {  	(pc) =	sbr.rel .LBB2_28-.Ltmp16, $2  }
0x127: {  	_ =	sdelay $0x2  }
0x128: {  	_ = 	snop  }
.LBB2_25:
.Ltmp17:
0x129: {  	(pc) =	sbr.rel .LBB2_28-.Ltmp17, $3  }
0x12a: {  	_ =	sdelay $0x1  }
0x12b: {  	v20 =	vmov v7;
	v7 =	vmov v18  }
0x12c: {  	v16 =	vmovc v11;
	v17 =	vmovc v12;
	v18 =	vmov v15;
	v13 =	vmov v10;
	vm6 =	vmmov vm7  }
.LBB2_16:
0x12d: {  	s9 =	rddreg [dreg:$0x4]  }
0x12e: {  	[spmem:s9] =	stream.linear.scatter [tilespmem:s16], [sflag:$0x2], $0x80, $0x38;
	[tilespmem:$0x2A20] =	vst v63  }
0x12f: {  	_ =	swait.ge [sflag:s15], $0x80  }
0x130: {  	[sflag:s15] =	ssyncset.done $0x0  }
0x131: {  	s0 =	rddreg [dreg:$0x6];
	[sflag:s15] =	ssyncadd.s32 $0xFFFFFF80  }
0x132: {  	[spmem:s0] =	stream.linear.scatter [tilespmem:s17], [sflag:$0x2], $0x80, $0x38;
	[tilespmem:$0x2A20] =	vst v63  }
0x133: {  	_ =	swait.ge [sflag:s15], $0x80  }
0x134: {  	[sflag:s15] =	ssyncset.done $0x0;
	s31 =	sld [smem:$0x7FD]  }
0x135: {  	s10 =	rddreg [dreg:$0xc];
	[sflag:s15] =	ssyncadd.s32 $0xFFFFFF80  }
0x136: {  	s7 =	rddreg [dreg:$0x2]  }
0x137: {  	s8 =	rddreg [dreg:$0x3];
	p1 =	seq.s32 s31, $0x1  }
.LBB2_17:
0x138: {  	[bflag:$0x0] =	sbarrier.arrive $0xFFFF  }
0x139: {  	s0 =	sld [smem:$0x7FC];
	_ =	sdelay $0x2  }
0x13a: {  	p0 =	seq.s32 s0, $0x1  }
.Ltmp18:
0x13b: {  	_ = 	snop;
	(pc) =	sbr.rel @p0 .LBB2_22-.Ltmp18, $1  }
0x13c: {  	_ =	sdelay $0x3  }
0x13d: {  	s0 =	simm.s32 $0xE20  }
0x13e: {  	[tilespmem:s0], [sflag:$0x2] =	stream.linear.gather [spmem:s9], $0x100, $0x38;
	[tilespmem:$0x2A20] =	vst v63  }
0x13f: {  	_ =	swait.ge [sflag:s15], $0x100  }
0x140: {  	[sflag:s15] =	ssyncset.done $0x0  }
0x141: {  	[sflag:s15] =	ssyncadd.s32 $0xFFFFFF00  }
0x142: {  	v4 =	vld [tilespmem:$0xE20];
	_ =	sdelay $0x1  }
0x143: {  	v5 =	vld [tilespmem:$0xEA0];
	_ =	sdelay $0x1  }
0x144: {  	v6 =	vld [tilespmem:$0xE30]  }
0x145: {  	v7 =	vshra.s32 v4, $0xA  }
0x146: {  	v4 =	vand.u32 $0x3FF, v4;
	[tilespmem:$0xF20] =	vst v7;
	v7 =	vld [tilespmem:$0xEB0]  }
0x147: {  	[tilespmem:$0xFA0] =	vst v4;
	v4 =	vshra.s32 v5, $0xA  }
0x148: {  	[tilespmem:$0x1020] =	vst v4;
	v4 =	vand.u32 $0x3FF, v5;
	v5 =	vld [tilespmem:$0xE40]  }
0x149: {  	[tilespmem:$0x10A0] =	vst v4;
	v4 =	vshra.s32 v6, $0xA  }
0x14a: {  	[tilespmem:$0xF30] =	vst v4;
	v4 =	vand.u32 $0x3FF, v6;
	v6 =	vld [tilespmem:$0xEC0]  }
0x14b: {  	[tilespmem:$0xFB0] =	vst v4;
	v4 =	vshra.s32 v7, $0xA  }
0x14c: {  	[tilespmem:$0x1030] =	vst v4;
	v4 =	vand.u32 $0x3FF, v7;
	v7 =	vld [tilespmem:$0xE50]  }
0x14d: {  	[tilespmem:$0x10B0] =	vst v4;
	v4 =	vshra.s32 v5, $0xA  }
0x14e: {  	[tilespmem:$0xF40] =	vst v4;
	v4 =	vand.u32 $0x3FF, v5;
	v5 =	vld [tilespmem:$0xED0]  }
0x14f: {  	[tilespmem:$0xFC0] =	vst v4;
	v4 =	vshra.s32 v6, $0xA  }
0x150: {  	[tilespmem:$0x1040] =	vst v4;
	v4 =	vand.u32 $0x3FF, v6;
	v6 =	vld [tilespmem:$0xE60]  }
0x151: {  	[tilespmem:$0x10C0] =	vst v4;
	v4 =	vshra.s32 v7, $0xA  }
0x152: {  	[tilespmem:$0xF50] =	vst v4;
	v4 =	vand.u32 $0x3FF, v7;
	v7 =	vld [tilespmem:$0xEE0]  }
0x153: {  	[tilespmem:$0xFD0] =	vst v4;
	v4 =	vshra.s32 v5, $0xA  }
0x154: {  	[tilespmem:$0x1050] =	vst v4;
	v4 =	vand.u32 $0x3FF, v5;
	v5 =	vld [tilespmem:$0xE70]  }
0x155: {  	[tilespmem:$0x10D0] =	vst v4;
	v4 =	vshra.s32 v6, $0xA  }
0x156: {  	[tilespmem:$0xF60] =	vst v4;
	v4 =	vand.u32 $0x3FF, v6;
	v6 =	vld [tilespmem:$0xEF0]  }
0x157: {  	[tilespmem:$0xFE0] =	vst v4;
	v4 =	vshra.s32 v7, $0xA  }
0x158: {  	[tilespmem:$0x1060] =	vst v4;
	v4 =	vand.u32 $0x3FF, v7;
	v7 =	vld [tilespmem:$0xE80]  }
0x159: {  	[tilespmem:$0x10E0] =	vst v4;
	v4 =	vshra.s32 v5, $0xA  }
0x15a: {  	[tilespmem:$0xF70] =	vst v4;
	v4 =	vand.u32 $0x3FF, v5;
	v5 =	vld [tilespmem:$0xF00]  }
0x15b: {  	[tilespmem:$0xFF0] =	vst v4;
	v4 =	vshra.s32 v6, $0xA  }
0x15c: {  	[tilespmem:$0x1070] =	vst v4;
	v4 =	vand.u32 $0x3FF, v6;
	v6 =	vld [tilespmem:$0xE90]  }
0x15d: {  	[tilespmem:$0x10F0] =	vst v4;
	v4 =	vshra.s32 v7, $0xA  }
0x15e: {  	[tilespmem:$0xF80] =	vst v4;
	v4 =	vand.u32 $0x3FF, v7;
	v7 =	vld [tilespmem:$0xF10]  }
0x15f: {  	[tilespmem:$0x1000] =	vst v4;
	v4 =	vshra.s32 v5, $0xA  }
0x160: {  	[tilespmem:$0x1080] =	vst v4;
	v4 =	vand.u32 $0x3FF, v5  }
0x161: {  	[tilespmem:$0x1100] =	vst v4;
	v4 =	vshra.s32 v6, $0xA  }
0x162: {  	[tilespmem:$0xF90] =	vst v4;
	v4 =	vand.u32 $0x3FF, v6  }
0x163: {  	[tilespmem:$0x1010] =	vst v4;
	v4 =	vshra.s32 v7, $0xA  }
0x164: {  	s1 =	rddreg [dreg:$0x7];
	[tilespmem:$0x1090] =	vst v4;
	v4 =	vand.u32 $0x3FF, v7  }
0x165: {  	s2 =	simm.s32 $0x8;
	s3 =	simm.s32 $0x1120;
	s22 =	rddreg [dreg:$0x0];
	[tilespmem:$0x1110] =	vst v4  }
0x166: {  	[tilespmem:s3], [sflag:$0x1] =	stream.indirect.gather [hbm4b:s22+s2], $0x80, s1, s2, $0xb8;
	[tilespmem:$0x2A20] =	vst v63  }
0x167: {  	s25 =	simm.s32 $0x1520;
	s23 =	rddreg [dreg:$0x8]  }
0x168: {  	[tilespmem:s25], [sflag:$0x1] =	stream.indirect.gather [hbm4b:s22+s2], $0x80, s23, s2, $0xb8;
	[tilespmem:$0x2A20] =	vst v63  }
0x169: {  	s29 =	simm.s32 $0x1920;
	s28 =	rddreg [dreg:$0x9]  }
0x16a: {  	[tilespmem:s29], [sflag:$0x1] =	stream.indirect.gather [hbm4b:s22+s2], $0x80, s28, s2, $0xb8;
	[tilespmem:$0x2A20] =	vst v63  }
0x16b: {  	s31 =	simm.s32 $0x1D20;
	s30 =	rddreg [dreg:$0xa]  }
0x16c: {  	[tilespmem:s31], [sflag:$0x1] =	stream.indirect.gather [hbm4b:s22+s2], $0x80, s30, s2, $0xb8;
	[tilespmem:$0x2A20] =	vst v63  }
0x16d: {  	_ =	swait.ge [sflag:s24], $0x400  }
0x16e: {  	[sflag:s24] =	ssyncset.done $0x0  }
0x16f: {  	[sflag:s24] =	ssyncadd.s32 $0xFFFFFC00  }
0x170: {  	_ =	swait.ge [sflag:s24], $0x400  }
0x171: {  	[sflag:s24] =	ssyncset.done $0x0  }
0x172: {  	[sflag:s24] =	ssyncadd.s32 $0xFFFFFC00  }
0x173: {  	_ =	swait.ge [sflag:s24], $0x400  }
0x174: {  	[sflag:s24] =	ssyncset.done $0x0  }
0x175: {  	[sflag:s24] =	ssyncadd.s32 $0xFFFFFC00  }
0x176: {  	_ =	swait.ge [sflag:s24], $0x400  }
0x177: {  	p2 =	por $0x1, $0x1;
	p3 =	por $0x1, $0x1;
	[sflag:s24] =	ssyncset.done $0x0  }
0x178: {  	v5 =	vimm.f32 $0.0e+00;
	v4 =	vimm.f32 $0.0e+00;
	s1 =	simm.s32 $0x0;
	s2 =	simm.s32 $0x0;
	[sflag:s24] =	ssyncadd.s32 $0xFFFFFC00  }
.LBB2_19:
0x179: {  	v6 =	vld [tilespmem:s2+$0x1120]  }
0x17a: {  	v7 =	vld [tilespmem:s2+$0x1520]  }
0x17b: {  	v8 =	vld [tilespmem:s2+$0x1130]  }
0x17c: {  	v9 =	vld [tilespmem:s2+$0x1530]  }
0x17d: {  	v10 =	vld [tilespmem:s2+$0x1140]  }
0x17e: {  	v11 =	vld [tilespmem:s2+$0x1150]  }
0x17f: {  	v6 =	vsub.f32 v6, v7;
	v7 =	vld [tilespmem:s2+$0x1540]  }
0x180: {  	v58 =	vld [tilespmem:s2+$0x1550]  }
0x181: {  	v12 =	vld [tilespmem:s2+$0x1160]  }
0x182: {  	v13 =	vld [tilespmem:s2+$0x1560];
	v8 =	vsub.f32 v8, v9;
	v6 =	vadd.f32 $9.999999970e-07, v6;
	_ =	sdelay $0x1  }
0x183: {  	v59 =	vld [tilespmem:s2+$0x1170];
	v8 =	vadd.f32 $9.999999970e-07, v8;
	v6 =	vmul.f32 v6, v6;
	v7 =	vsub.f32 v10, v7  }
0x184: {  	v60 =	vld [tilespmem:s2+$0x1570];
	v9 =	vsub.f32 v11, v58  }
0x185: {  	v62 =	vld [tilespmem:s2+$0x1580];
	v5 =	vadd.f32 v6, v5;
	v6 =	vmul.f32 v8, v8;
	v7 =	vadd.f32 $9.999999970e-07, v7  }
0x186: {  	v63 =	vld [tilespmem:s2+$0x1190];
	v61 =	vsub.f32 v12, v13  }
0x187: {  	v9 =	vadd.f32 $9.999999970e-07, v9;
	v5 =	vadd.f32 v6, v5;
	v6 =	vld [tilespmem:s2+$0x1180];
	v7 =	vmul.f32 v7, v7  }
0x188: {  	v15 =	vld [tilespmem:s2+$0x1590]  }
0x189: {  	v16 =	vld [tilespmem:s2+$0x11A0];
	v14 =	vadd.f32 $9.999999970e-07, v61;
	v5 =	vadd.f32 v7, v5;
	v7 =	vmul.f32 v9, v9  }
0x18a: {  	v17 =	vld [tilespmem:s2+$0x15A0];
	v8 =	vsub.f32 v59, v60  }
0x18b: {  	v18 =	vld [tilespmem:s2+$0x15B0];
	v5 =	vadd.f32 v7, v5;
	v7 =	vmul.f32 v14, v14  }
0x18c: {  	v19 =	vld [tilespmem:s2+$0x11C0];
	v8 =	vadd.f32 $9.999999970e-07, v8;
	v6 =	vsub.f32 v6, v62  }
0x18d: {  	v5 =	vadd.f32 v7, v5;
	v7 =	vld [tilespmem:s2+$0x11B0]  }
0x18e: {  	v21 =	vld [tilespmem:s2+$0x15C0];
	v11 =	vsub.f32 v63, v15;
	v8 =	vmul.f32 v8, v8;
	v6 =	vadd.f32 $9.999999970e-07, v6  }
0x18f: {  	v9 =	vsub.f32 v16, v17  }
0x190: {  	v22 =	vld [tilespmem:s2+$0x11D0];
	v20 =	vadd.f32 $9.999999970e-07, v11;
	v5 =	vadd.f32 v8, v5;
	v6 =	vmul.f32 v6, v6  }
0x191: {  	v23 =	vld [tilespmem:s2+$0x15D0];
	v9 =	vadd.f32 $9.999999970e-07, v9  }
0x192: {  	v24 =	vld [tilespmem:s2+$0x15E0];
	v5 =	vadd.f32 v6, v5;
	v6 =	vmul.f32 v20, v20;
	v7 =	vsub.f32 v7, v18  }
0x193: {  	v25 =	vld [tilespmem:s2+$0x11F0];
	v11 =	vsub.f32 v19, v21  }
0x194: {  	v9 =	vmul.f32 v9, v9;
	v5 =	vadd.f32 v6, v5;
	v6 =	vld [tilespmem:s2+$0x11E0];
	v7 =	vadd.f32 $9.999999970e-07, v7  }
0x195: {  	v27 =	vld [tilespmem:s2+$0x15F0]  }
0x196: {  	v28 =	vld [tilespmem:s2+$0x1200];
	v26 =	vadd.f32 $9.999999970e-07, v11;
	v5 =	vadd.f32 v9, v5;
	v7 =	vmul.f32 v7, v7  }
0x197: {  	v29 =	vld [tilespmem:s2+$0x1600];
	v8 =	vsub.f32 v22, v23  }
0x198: {  	v30 =	vld [tilespmem:s2+$0x1610];
	v5 =	vadd.f32 v7, v5;
	v7 =	vmul.f32 v26, v26  }
0x199: {  	v31 =	vld [tilespmem:s2+$0x1220];
	v8 =	vadd.f32 $9.999999970e-07, v8;
	v6 =	vsub.f32 v6, v24  }
0x19a: {  	v5 =	vadd.f32 v7, v5;
	v7 =	vld [tilespmem:s2+$0x1210]  }
0x19b: {  	v33 =	vld [tilespmem:s2+$0x1620];
	v11 =	vsub.f32 v25, v27;
	v8 =	vmul.f32 v8, v8;
	v6 =	vadd.f32 $9.999999970e-07, v6  }
0x19c: {  	v9 =	vsub.f32 v28, v29  }
0x19d: {  	v34 =	vld [tilespmem:s2+$0x1230];
	v32 =	vadd.f32 $9.999999970e-07, v11;
	v5 =	vadd.f32 v8, v5;
	v6 =	vmul.f32 v6, v6  }
0x19e: {  	v35 =	vld [tilespmem:s2+$0x1630];
	v9 =	vadd.f32 $9.999999970e-07, v9  }
0x19f: {  	v36 =	vld [tilespmem:s2+$0x1640];
	v5 =	vadd.f32 v6, v5;
	v6 =	vmul.f32 v32, v32;
	v7 =	vsub.f32 v7, v30  }
0x1a0: {  	v37 =	vld [tilespmem:s2+$0x1250];
	v11 =	vsub.f32 v31, v33  }
0x1a1: {  	v9 =	vmul.f32 v9, v9;
	v5 =	vadd.f32 v6, v5;
	v6 =	vld [tilespmem:s2+$0x1240];
	v7 =	vadd.f32 $9.999999970e-07, v7  }
0x1a2: {  	v39 =	vld [tilespmem:s2+$0x1650]  }
0x1a3: {  	v40 =	vld [tilespmem:s2+$0x1260];
	v38 =	vadd.f32 $9.999999970e-07, v11;
	v5 =	vadd.f32 v9, v5;
	v7 =	vmul.f32 v7, v7  }
0x1a4: {  	v41 =	vld [tilespmem:s2+$0x1660];
	v8 =	vsub.f32 v34, v35  }
0x1a5: {  	v42 =	vld [tilespmem:s2+$0x1670];
	v5 =	vadd.f32 v7, v5;
	v7 =	vmul.f32 v38, v38  }
0x1a6: {  	v43 =	vld [tilespmem:s2+$0x1280];
	v8 =	vadd.f32 $9.999999970e-07, v8;
	v6 =	vsub.f32 v6, v36  }
0x1a7: {  	v5 =	vadd.f32 v7, v5;
	v7 =	vld [tilespmem:s2+$0x1270]  }
0x1a8: {  	v45 =	vld [tilespmem:s2+$0x1680];
	v11 =	vsub.f32 v37, v39;
	v8 =	vmul.f32 v8, v8;
	v6 =	vadd.f32 $9.999999970e-07, v6  }
0x1a9: {  	v9 =	vsub.f32 v40, v41  }
0x1aa: {  	v46 =	vld [tilespmem:s2+$0x1290];
	v44 =	vadd.f32 $9.999999970e-07, v11;
	v5 =	vadd.f32 v8, v5;
	v6 =	vmul.f32 v6, v6  }
0x1ab: {  	v47 =	vld [tilespmem:s2+$0x1690];
	v9 =	vadd.f32 $9.999999970e-07, v9  }
0x1ac: {  	v48 =	vld [tilespmem:s2+$0x16A0];
	v5 =	vadd.f32 v6, v5;
	v6 =	vmul.f32 v44, v44;
	v7 =	vsub.f32 v7, v42  }
0x1ad: {  	v49 =	vld [tilespmem:s2+$0x12B0];
	v11 =	vsub.f32 v43, v45  }
0x1ae: {  	v9 =	vmul.f32 v9, v9;
	v5 =	vadd.f32 v6, v5;
	v6 =	vld [tilespmem:s2+$0x12A0];
	v7 =	vadd.f32 $9.999999970e-07, v7  }
0x1af: {  	v51 =	vld [tilespmem:s2+$0x16B0]  }
0x1b0: {  	v52 =	vld [tilespmem:s2+$0x12C0];
	v50 =	vadd.f32 $9.999999970e-07, v11;
	v5 =	vadd.f32 v9, v5;
	v7 =	vmul.f32 v7, v7  }
0x1b1: {  	v53 =	vld [tilespmem:s2+$0x16C0];
	v8 =	vsub.f32 v46, v47  }
0x1b2: {  	v54 =	vld [tilespmem:s2+$0x16D0];
	v5 =	vadd.f32 v7, v5;
	v7 =	vmul.f32 v50, v50  }
0x1b3: {  	v55 =	vld [tilespmem:s2+$0x12E0];
	v8 =	vadd.f32 $9.999999970e-07, v8;
	v6 =	vsub.f32 v6, v48  }
0x1b4: {  	v5 =	vadd.f32 v7, v5;
	v7 =	vld [tilespmem:s2+$0x12D0]  }
0x1b5: {  	v57 =	vld [tilespmem:s2+$0x16E0];
	v11 =	vsub.f32 v49, v51;
	v8 =	vmul.f32 v8, v8;
	v6 =	vadd.f32 $9.999999970e-07, v6  }
0x1b6: {  	v9 =	vsub.f32 v52, v53  }
0x1b7: {  	v56 =	vadd.f32 $9.999999970e-07, v11;
	v5 =	vadd.f32 v8, v5;
	v6 =	vmul.f32 v6, v6  }
0x1b8: {  	v58 =	vld [tilespmem:s2+$0x12F0];
	v9 =	vadd.f32 $9.999999970e-07, v9  }
0x1b9: {  	v59 =	vld [tilespmem:s2+$0x16F0];
	v5 =	vadd.f32 v6, v5;
	v6 =	vmul.f32 v56, v56;
	v7 =	vsub.f32 v7, v54  }
0x1ba: {  	v60 =	vld [tilespmem:s2+$0x1700];
	v11 =	vsub.f32 v55, v57  }
0x1bb: {  	v9 =	vmul.f32 v9, v9;
	v5 =	vadd.f32 v6, v5;
	v6 =	vld [tilespmem:s2+$0x1300];
	v7 =	vadd.f32 $9.999999970e-07, v7  }
0x1bc: {  	v63 =	vld [tilespmem:s2+$0x1710]  }
0x1bd: {  	v61 =	vld [tilespmem:s2+$0x1310];
	v62 =	vadd.f32 $9.999999970e-07, v11;
	v5 =	vadd.f32 v9, v5;
	v7 =	vmul.f32 v7, v7  }
0x1be: {  	v8 =	vsub.f32 v58, v59  }
0x1bf: {  	v5 =	vadd.f32 v7, v5;
	v7 =	vmul.f32 v62, v62  }
0x1c0: {  	v8 =	vadd.f32 $9.999999970e-07, v8;
	v6 =	vsub.f32 v6, v60  }
0x1c1: {  	v5 =	vadd.f32 v7, v5  }
0x1c2: {  	v8 =	vmul.f32 v8, v8;
	v7 =	vsub.f32 v61, v63;
	v6 =	vadd.f32 $9.999999970e-07, v6  }
0x1c3: {  	p0 =	por p3, p3  }
.Ltmp19:
0x1c4: {  	v5 =	vadd.f32 v8, v5;
	v6 =	vmul.f32 v6, v6;
	v7 =	vadd.f32 $9.999999970e-07, v7;
	(pc) =	sbr.rel @p0 .LBB2_19-.Ltmp19, $3  }
0x1c5: {  	_ = 	snop  }
0x1c6: {  	v5 =	vadd.f32 v6, v5;
	v6 =	vmul.f32 v7, v7;
	_ =	sdelay $0x1  }
0x1c7: {  	p3 =	por $0x0, $0x0;
	s2 =	simm.s32 $0x200;
	v5 =	vadd.f32 v6, v5  }
.LBB2_20:
0x1c8: {  	s0 =	sshll.u32 s1, $0x7  }
0x1c9: {  	v6 =	vld [tilespmem:s0+$0x1920]  }
0x1ca: {  	v7 =	vld [tilespmem:s0+$0x1D20]  }
0x1cb: {  	v8 =	vld [tilespmem:s0+$0x1930]  }
0x1cc: {  	v9 =	vld [tilespmem:s0+$0x1D30]  }
0x1cd: {  	v10 =	vld [tilespmem:s0+$0x1940]  }
0x1ce: {  	v11 =	vld [tilespmem:s0+$0x1D40]  }
0x1cf: {  	v12 =	vld [tilespmem:s0+$0x1950]  }
0x1d0: {  	v13 =	vld [tilespmem:s0+$0x1D50]  }
0x1d1: {  	v14 =	vld [tilespmem:s0+$0x1960]  }
0x1d2: {  	v15 =	vld [tilespmem:s0+$0x1D60]  }
0x1d3: {  	v16 =	vld [tilespmem:s0+$0x1970]  }
0x1d4: {  	v17 =	vld [tilespmem:s0+$0x1D70]  }
0x1d5: {  	v18 =	vld [tilespmem:s0+$0x1980]  }
0x1d6: {  	v19 =	vld [tilespmem:s0+$0x1D80]  }
0x1d7: {  	s2 =	sor.u32 $0x1, s1;
	v20 =	vld [tilespmem:s0+$0x1990]  }
0x1d8: {  	v21 =	vld [tilespmem:s0+$0x1D90];
	s31 =	sshll.u32 s2, $0x7  }
0x1d9: {  	v22 =	vld [tilespmem:s31+$0x1920]  }
0x1da: {  	v23 =	vld [tilespmem:s31+$0x1D20]  }
0x1db: {  	v32 =	vld [tilespmem:s31+$0x1930]  }
0x1dc: {  	v33 =	vld [tilespmem:s31+$0x1D30]  }
0x1dd: {  	v24 =	vld [tilespmem:s31+$0x1940]  }
0x1de: {  	v34 =	vld [tilespmem:s31+$0x1D40]  }
0x1df: {  	v25 =	vld [tilespmem:s31+$0x1950]  }
0x1e0: {  	v35 =	vld [tilespmem:s31+$0x1D50]  }
0x1e1: {  	v26 =	vld [tilespmem:s31+$0x1970]  }
0x1e2: {  	v39 =	vld [tilespmem:s31+$0x1D70]  }
0x1e3: {  	s3 =	sor.u32 $0x2, s1;
	v27 =	vld [tilespmem:s31+$0x1980]  }
0x1e4: {  	s5 =	sshll.u32 s3, $0x7;
	v41 =	vld [tilespmem:s31+$0x1D80]  }
0x1e5: {  	v43 =	vld [tilespmem:s5+$0x1920]  }
0x1e6: {  	v44 =	vld [tilespmem:s5+$0x1D20]  }
0x1e7: {  	s4 =	sor.u32 $0x3, s1;
	v45 =	vld [tilespmem:s5+$0x1930]  }
0x1e8: {  	s6 =	sshll.u32 s4, $0x7;
	v46 =	vld [tilespmem:s5+$0x1D30];
	v6 =	vsub.f32 v6, v7;
	v7 =	vsub.f32 v8, v9  }
0x1e9: {  	v63 =	vld [tilespmem:s6+$0x1930];
	v10 =	vsub.f32 v10, v11;
	v12 =	vsub.f32 v12, v13  }
0x1ea: {  	v28 =	vld [tilespmem:s6+$0x1D30];
	v14 =	vsub.f32 v14, v15;
	v16 =	vsub.f32 v16, v17  }
0x1eb: {  	v47 =	vld [tilespmem:s5+$0x1940];
	v18 =	vsub.f32 v18, v19;
	v20 =	vsub.f32 v20, v21  }
0x1ec: {  	v49 =	vld [tilespmem:s5+$0x1D40];
	v42 =	vsub.f32 v22, v23;
	v8 =	vsub.f32 v32, v33  }
0x1ed: {  	v52 =	vld [tilespmem:s5+$0x1950];
	v11 =	vsub.f32 v24, v34;
	v13 =	vsub.f32 v25, v35  }
0x1ee: {  	v53 =	vld [tilespmem:s5+$0x1D50];
	v9 =	vsub.f32 v43, v44;
	v59 =	vsub.f32 v45, v46  }
0x1ef: {  	v55 =	vld [tilespmem:s5+$0x1960];
	v33 =	vsub.f32 v27, v41;
	v21 =	vsub.f32 v63, v28  }
0x1f0: {  	v57 =	vld [tilespmem:s5+$0x1D60];
	v6 =	vadd.f32 $9.999999970e-07, v6;
	v7 =	vadd.f32 $9.999999970e-07, v7  }
0x1f1: {  	v30 =	vld [tilespmem:s6+$0x1940];
	v10 =	vadd.f32 $9.999999970e-07, v10;
	v12 =	vadd.f32 $9.999999970e-07, v12  }
0x1f2: {  	v17 =	vld [tilespmem:s31+$0x1990];
	v38 =	vadd.f32 $9.999999970e-07, v14;
	v16 =	vadd.f32 $9.999999970e-07, v16  }
0x1f3: {  	v22 =	vld [tilespmem:s31+$0x1D90];
	v18 =	vadd.f32 $9.999999970e-07, v18;
	v56 =	vadd.f32 $9.999999970e-07, v20  }
0x1f4: {  	v32 =	vld [tilespmem:s6+$0x1D40];
	v14 =	vsub.f32 v26, v39;
	v8 =	vadd.f32 $9.999999970e-07, v8  }
0x1f5: {  	v34 =	vld [tilespmem:s6+$0x1950];
	v11 =	vadd.f32 $9.999999970e-07, v11;
	v51 =	vadd.f32 $9.999999970e-07, v13  }
0x1f6: {  	v35 =	vld [tilespmem:s6+$0x1D50];
	v9 =	vadd.f32 $9.999999970e-07, v9;
	v19 =	vadd.f32 $9.999999970e-07, v59;
	v6 =	vmul.f32 v6, v6  }
0x1f7: {  	v43 =	vld [tilespmem:s6+$0x1970];
	v13 =	vsub.f32 v52, v53;
	v7 =	vmul.f32 v7, v7;
	v10 =	vmul.f32 v10, v10  }
0x1f8: {  	v44 =	vld [tilespmem:s6+$0x1D70];
	v21 =	vadd.f32 $9.999999970e-07, v21;
	v37 =	vmul.f32 v12, v12;
	v48 =	vmul.f32 v18, v18  }
0x1f9: {  	v36 =	vld [tilespmem:s31+$0x1D60];
	v18 =	vsub.f32 v47, v49;
	v14 =	vadd.f32 $9.999999970e-07, v14;
	v50 =	vmul.f32 v11, v11  }
0x1fa: {  	v58 =	vld [tilespmem:s5+$0x1970];
	v9 =	vmul.f32 v9, v9;
	v13 =	vadd.f32 $9.999999970e-07, v13;
	v11 =	vsub.f32 v55, v57  }
0x1fb: {  	v60 =	vld [tilespmem:s5+$0x1D70];
	v19 =	vmul.f32 v19, v19;
	v6 =	vadd.f32 v7, v6;
	v18 =	vadd.f32 $9.999999970e-07, v18  }
0x1fc: {  	v61 =	vld [tilespmem:s6+$0x1920];
	v29 =	vmul.f32 v14, v14;
	v14 =	vsub.f32 v30, v32;
	v12 =	vsub.f32 v34, v35  }
0x1fd: {  	v40 =	vmul.f32 v38, v38;
	v7 =	vld [tilespmem:s31+$0x1960];
	v47 =	vsub.f32 v17, v22;
	v53 =	vsub.f32 v43, v44  }
0x1fe: {  	v62 =	vld [tilespmem:s6+$0x1D20];
	v16 =	vmul.f32 v16, v16;
	v9 =	vadd.f32 v19, v9;
	v6 =	vadd.f32 v10, v6  }
0x1ff: {  	v39 =	vld [tilespmem:s6+$0x1D60];
	v11 =	vadd.f32 $9.999999970e-07, v11;
	v10 =	vadd.f32 $9.999999970e-07, v42;
	v31 =	vmul.f32 v18, v18  }
0x200: {  	v38 =	vld [tilespmem:s6+$0x1960];
	v8 =	vmul.f32 v8, v8;
	v14 =	vadd.f32 $9.999999970e-07, v14;
	v6 =	vadd.f32 v37, v6  }
0x201: {  	v41 =	vld [tilespmem:s5+$0x1990];
	v12 =	vadd.f32 $9.999999970e-07, v12;
	v10 =	vmul.f32 v10, v10;
	v9 =	vadd.f32 v31, v9  }
0x202: {  	v13 =	vmul.f32 v13, v13;
	v42 =	vld [tilespmem:s5+$0x1D90];
	v7 =	vsub.f32 v7, v36;
	v6 =	vadd.f32 v40, v6  }
0x203: {  	v36 =	vsub.f32 v61, v62;
	v8 =	vadd.f32 v8, v10  }
0x204: {  	v45 =	vld [tilespmem:s6+$0x1980];
	v9 =	vadd.f32 v13, v9;
	v6 =	vadd.f32 v16, v6  }
0x205: {  	v46 =	vld [tilespmem:s6+$0x1D80];
	v10 =	vsub.f32 v58, v60;
	v13 =	vsub.f32 v38, v39  }
0x206: {  	v7 =	vadd.f32 $9.999999970e-07, v7;
	v16 =	vmul.f32 v56, v56;
	v6 =	vadd.f32 v48, v6  }
0x207: {  	v11 =	vmul.f32 v11, v11;
	v15 =	vsub.f32 v41, v42;
	v8 =	vadd.f32 v50, v8  }
0x208: {  	v54 =	vmul.f32 v51, v51;
	v37 =	vld [tilespmem:s5+$0x1980];
	v6 =	vadd.f32 v16, v6;
	v16 =	vadd.f32 $9.999999970e-07, v36  }
0x209: {  	v21 =	vmul.f32 v21, v21;
	v40 =	vld [tilespmem:s5+$0x1D80];
	v10 =	vadd.f32 $9.999999970e-07, v10;
	v9 =	vadd.f32 v11, v9  }
0x20a: {  	v13 =	vadd.f32 $9.999999970e-07, v13;
	v11 =	vsub.f32 v45, v46;
	v16 =	vmul.f32 v16, v16  }
0x20b: {  	v7 =	vmul.f32 v7, v7;
	v8 =	vadd.f32 v54, v8;
	v54 =	vadd.f32 $9.999999970e-07, v53  }
0x20c: {  	v49 =	vld [tilespmem:s6+$0x1D90];
	v14 =	vmul.f32 v14, v14;
	v11 =	vadd.f32 $9.999999970e-07, v11;
	v16 =	vadd.f32 v21, v16  }
0x20d: {  	v10 =	vmul.f32 v10, v10;
	v48 =	vld [tilespmem:s6+$0x1990];
	v7 =	vadd.f32 v7, v8;
	v8 =	vadd.f32 $9.999999970e-07, v33  }
0x20e: {  	v12 =	vmul.f32 v12, v12;
	v52 =	vsub.f32 v37, v40;
	v14 =	vadd.f32 v14, v16  }
0x20f: {  	v9 =	vadd.f32 v10, v9;
	v7 =	vadd.f32 v29, v7;
	v8 =	vmul.f32 v8, v8  }
0x210: {  	v51 =	vmul.f32 v13, v13;
	v13 =	vadd.f32 $9.999999970e-07, v52;
	v50 =	vadd.f32 v12, v14  }
0x211: {  	v7 =	vadd.f32 v8, v7;
	v8 =	vadd.f32 $9.999999970e-07, v47  }
0x212: {  	v55 =	vsub.f32 v48, v49;
	v12 =	vmul.f32 v54, v54;
	v10 =	vadd.f32 v51, v50  }
0x213: {  	v15 =	vadd.f32 $9.999999970e-07, v15;
	v13 =	vmul.f32 v13, v13;
	v8 =	vmul.f32 v8, v8  }
0x214: {  	v11 =	vmul.f32 v11, v11;
	v56 =	vadd.f32 $9.999999970e-07, v55;
	v10 =	vadd.f32 v12, v10  }
0x215: {  	v58 =	vmul.f32 v15, v15;
	v57 =	vadd.f32 v13, v9;
	v7 =	vadd.f32 v8, v7  }
0x216: {  	(xrf2) =	vadd.scan.msk.f32 $0xffff, v6;
	v59 =	vmul.f32 v56, v56;
	v6 =	vadd.f32 v11, v10  }
0x217: {  	(xrf2) =	vadd.scan.msk.f32 $0xffff, v7;
	v7 =	vadd.f32 v58, v57  }
0x218: {  	v6 =	vadd.f32 v59, v6  }
0x219: {  	(xrf2) =	vadd.scan.msk.f32 $0xffff, v7  }
0x21a: {  	(xrf2) =	vadd.scan.msk.f32 $0xffff, v6;
	_ =	sdelay $0x5  }
0x21b: {  	v6, _, _ =	vpop (xrf2)  }
0x21c: {  	v60 =	vmov s1;
	v7, _, _ =	vpop (xrf2);
	v6 =	vbroadcast v6, $0xF  }
0x21d: {  	p0 =	por p2, p2;
	v61 =	vmov s2;
	vm0 =	veq.s32 v60, v1;
	v7 =	vbroadcast v7, $0xF  }
.Ltmp20:
0x21e: {  	vm13 =	veq.s32 v61, v1;
	v62, _, _ =	vpop (xrf2);
	v4 =	vsel vm0, v6, v4;
	(pc) =	sbr.rel @p0 .LBB2_20-.Ltmp20, $4  }
0x21f: {  	v6 =	vmov s3;
	v4 =	vsel vm13, v7, v4;
	v7 =	vbroadcast v62, $0xF;
	v63, _, _ =	vpop (xrf2)  }
0x220: {  	vm14 =	veq.s32 v6, v1;
	v6 =	vmov s4;
	v8 =	vbroadcast v63, $0xF  }
0x221: {  	vm15 =	veq.s32 v6, v1;
	v4 =	vsel vm14, v7, v4  }
0x222: {  	p2 =	por $0x0, $0x0;
	s1 =	simm.s32 $0x4;
	v4 =	vsel vm15, v8, v4  }
0x223: {  	v6 =	vmax.f32 v4, $1.000000000e-30  }
0x224: {  	v7 =	vshra.s32 v6, $0x1;
	v6 =	vmul.f32 $5.000000000e-01, v6  }
0x225: {  	v7 =	vsub.s32 $0x5F3759DF, v7  }
0x226: {  	v8 =	vmul.f32 v7, v6;
	_ =	sdelay $0x1  }
0x227: {  	v8 =	vmul.f32 v7, v8;
	_ =	sdelay $0x1  }
0x228: {  	v8 =	vsub.f32 $1.500000000e+00, v8;
	_ =	sdelay $0x1  }
0x229: {  	v7 =	vmul.f32 v7, v8;
	_ =	sdelay $0x1  }
0x22a: {  	v8 =	vmul.f32 v7, v6;
	_ =	sdelay $0x1  }
0x22b: {  	v8 =	vmul.f32 v8, v7;
	_ =	sdelay $0x1  }
0x22c: {  	v8 =	vsub.f32 $1.500000000e+00, v8;
	_ =	sdelay $0x1  }
0x22d: {  	v7 =	vmul.f32 v8, v7;
	_ =	sdelay $0x1  }
0x22e: {  	v8 =	vmul.f32 v7, v6;
	_ =	sdelay $0x1  }
0x22f: {  	v8 =	vmul.f32 v8, v7;
	_ =	sdelay $0x1  }
0x230: {  	v8 =	vsub.f32 $1.500000000e+00, v8;
	_ =	sdelay $0x1  }
0x231: {  	v7 =	vmul.f32 v8, v7;
	_ =	sdelay $0x1  }
0x232: {  	v6 =	vmul.f32 v7, v6;
	_ =	sdelay $0x1  }
0x233: {  	v6 =	vmul.f32 v6, v7;
	_ =	sdelay $0x1  }
0x234: {  	v6 =	vsub.f32 $1.500000000e+00, v6;
	_ =	sdelay $0x1  }
0x235: {  	v6 =	vmul.f32 v6, v7;
	_ =	sdelay $0x1  }
0x236: {  	v4 =	vmul.f32 v6, v4;
	_ =	sdelay $0x1  }
0x237: {  	v4 =	vsub.f32 $2.000000000e+00, v4;
	_ =	sdelay $0x1  }
0x238: {  	v4 =	vmax.f32 v4, $0.0e+00  }
0x239: {  	v4 =	vmul.f32 v4, v4  }
0x23a: {  	vm0 =	vmmov $0xff  }
0x23b: {  	v4 =	vnsel vm0, $0x0, v4  }
0x23c: {  	v4 =	vadd.f32 v4, v5;
	_ =	sdelay $0x1  }
.Ltmp21:
0x23d: {  	s0 =	rddreg [dreg:$0xb];
	s1 =	simm.s32 $0x2120;
	[tilespmem:$0x2120] =	vst v4;
	(pc) =	sbr.rel .LBB2_22-.Ltmp21, $4  }
0x23e: {  	[spmem:s0] =	stream.linear.scatter [tilespmem:s1], [sflag:$0x2], $0x80, $0x38;
	[tilespmem:$0x2A20] =	vst v63  }
0x23f: {  	_ =	swait.ge [sflag:s15], $0x80  }
0x240: {  	[sflag:s15] =	ssyncset.done $0x0  }
0x241: {  	[sflag:s15] =	ssyncadd.s32 $0xFFFFFF80  }
.LBB2_23:
0x242: {  	_ =	sfence.sel $0x180000  }
0x243: {  	[bflag:$0x0] =	sbarrier.arrive $0xFFFF  }
0x244: {  	_ =	strace $0x90000047  }
0x245: {  	s0 =	stileid.u32;
	[bflag:$0x2] =	sbarrier.arrive $0xFFFF  }
0x246: {  	p0 =	sne.s32 s0, $0x0;
	s0 =	rddreg [dreg:$0x5]  }
0x247: {  	s0 =	sadd.s32 @!p0 $0x100000, s0  }
0x248: {  	[sflag:s0] =	ssyncadd.tile.s32 @!p0 $0x1;
	_ =	shalt  }
.Lfunc_end2:
_tile_overlayer_lowered:
.L_overlay_start_2:
0x249: {  	(tag) =	ssettag $0x2  }
0x24a: {  	s0 =	rddreg [dreg:$0x0];
	s2 =	stileid.u32  }
0x24b: {  	s1 =	rddreg [dreg:$0x1];
	p0 =	sne.s32 s2, $0x0  }
0x24c: {  	s3 =	rddreg [dreg:$0x2];
	[bflag:$0x3] =	sbarrier.arrive $0xFFFF;
	s2 =	simm.s32 @!p0 $0x1C02  }
0x24d: {  	[timem:s3], [sflag:s2] =	dma.local @!p0 [hbm:s0], s1  }
0x24e: {  	s0 =	simm.s32 @!p0 $0x2  }
0x24f: {  	_ =	swait.ge @!p0 [sflag:s0], s1  }
0x250: {  	s1 =	ssub.s32 @!p0 $0x0, s1;
	[sflag:s0] =	ssyncset.done @!p0 $0x0  }
0x251: {  	[sflag:s0] =	ssyncadd.s32 @!p0 s1  }
0x252: {  	[bflag:$0x3] =	sbarrier.arrive $0xFFFF  }
0x253: {  	_ =	shalt  }

</sc_bundles>
